<compile_context>
chip_gen: v7x
topology: tpu7x:2x2x1
jax: 0.10.2.dev20260603
libtpu: 0.0.44.dev20260713+nightly
codegen_flags: <defaults>
</compile_context>

<pallas_src>
import functools

import jax
import jax.numpy as jnp
from jax import lax
from jax.experimental import pallas as pl
from jax.experimental.pallas import tpu as pltpu
from jax.experimental.pallas import tpu_sc as plsc

VOCAB = 100000
D_W = 128
D_P = 32
D_OUT = D_W + D_P
B = 1024
S = 200
N = B * S

NC = 2
NS = 16
NW = NC * NS
ROWS_PER_W = N // NW
CHUNK = 128
STEPS = ROWS_PER_W // CHUNK
NB = 3

_mesh = plsc.VectorSubcoreMesh(core_axis_name="c", subcore_axis_name="s")


@functools.partial(
    pl.kernel,
    mesh=_mesh,
    out_type=jax.ShapeDtypeStruct((N, D_OUT), jnp.float32),
    scratch_types=[
        pltpu.VMEM((STEPS, CHUNK), jnp.int32),
        pltpu.VMEM((NB, CHUNK, D_W), jnp.float32),
        pltpu.VMEM((NB, CHUNK, D_P), jnp.float32),
        pltpu.SemaphoreType.DMA((NB,)),
        pltpu.SemaphoreType.DMA((NB,)),
    ],
)
def _emb_kernel(tok_hbm, pos_hbm, w_hbm, out_hbm, idx2, rows, posb, gsem, wsem):
    wid = lax.axis_index("s") * NC + lax.axis_index("c")
    base = wid * ROWS_PER_W

    pltpu.sync_copy(tok_hbm.at[wid], idx2)

    def start_in(g, b):
        pltpu.async_copy(w_hbm.at[idx2.at[g]], rows.at[b], gsem.at[b])
        pltpu.async_copy(pos_hbm.at[pl.ds(base + g * CHUNK, CHUNK)],
                         posb.at[b], gsem.at[b])

    def wait_in(g, b):
        pltpu.make_async_copy(w_hbm.at[idx2.at[g]], rows.at[b],
                              gsem.at[b]).wait()
        pltpu.make_async_copy(pos_hbm.at[pl.ds(base + g * CHUNK, CHUNK)],
                              posb.at[b], gsem.at[b]).wait()

    def start_out(g, b):
        pltpu.async_copy(
            rows.at[b],
            out_hbm.at[pl.ds(base + g * CHUNK, CHUNK), pl.ds(0, D_W)],
            wsem.at[b])
        pltpu.async_copy(
            posb.at[b],
            out_hbm.at[pl.ds(base + g * CHUNK, CHUNK), pl.ds(D_W, D_P)],
            wsem.at[b])

    def wait_out(b):
        pltpu.make_async_copy(
            rows.at[b],
            out_hbm.at[pl.ds(base, CHUNK), pl.ds(0, D_W)],
            wsem.at[b]).wait()
        pltpu.make_async_copy(
            posb.at[b],
            out_hbm.at[pl.ds(base, CHUNK), pl.ds(D_W, D_P)],
            wsem.at[b]).wait()

    start_in(0, 0)
    start_in(1, 1)

    def it(g, carry):
        b = lax.rem(g, NB)
        wait_in(g, b)
        start_out(g, b)
        b2 = lax.rem(g + 2, NB)

        @pl.when(jnp.logical_and(g + 2 < STEPS, g >= NB - 2))
        def _():
            wait_out(b2)

        @pl.when(g + 2 < STEPS)
        def _():
            start_in(g + 2, b2)

        return carry

    lax.fori_loop(0, STEPS, it, 0)
    for b in range(NB):
        wait_out(b)


def kernel(token_ids, pos_onehot, W):
    tok = token_ids.reshape(NW, STEPS, CHUNK).astype(jnp.int32)
    pos = pos_onehot.reshape(N, D_P)
    out = _emb_kernel(tok, pos, W)
    return out.reshape(B, S, D_OUT)

# --- scband reference (transcript-rebuilt; emitter-appended) ---
"""Pipeline reference for scband-ptfembedding-171798692517 (READ-ONLY COPY).

The authoritative reference and input builder live on the scoring server;
editing this copy changes nothing except your own understanding.
"""

import jax, jax.numpy as jnp
import numpy as np

VOCAB = 100000
WORD2VEC_DIM = 128
POS_DIM = 32
B = 1024
S = 200


def setup_inputs(seed: int = 0) -> dict:
    key = jax.random.key(seed)
    k1, k2, k3 = jax.random.split(key, 3)
    token_ids = jax.random.randint(k1, (B, S), 0, VOCAB)
    pos_onehot = jax.random.uniform(k3, (B, S, POS_DIM), dtype=jnp.float32)
    # learned embedding table (padding_idx=0 row zeroed, as nn.Embedding does)
    W = jax.random.normal(k2, (VOCAB, WORD2VEC_DIM), dtype=jnp.float32)
    W = W.at[0].set(0.0)
    return {"token_ids": token_ids, "pos_onehot": pos_onehot, "W": W}


def reference(token_ids, pos_onehot, W):
    # word_vecs = self.word_embed(token_ids)  (gather -> SparseCore)
    word_vecs = jnp.take(W, token_ids, axis=0)
    # dropout is identity in eval mode
    pos_vecs = pos_onehot.astype(jnp.float32)
    combined = jnp.concatenate([word_vecs, pos_vecs], axis=-1)
    return combined

if __name__ == "__main__":
    import jax
    _d = setup_inputs()
    print(jax.jit(kernel)(*tuple(_d.values())))

</pallas_src>

<mosaic_0001>
#map = affine_map<(d0, d1) -> (0, 0, 0)>
#map1 = affine_map<(d0, d1) -> (0, 0)>
module attributes {stable_mosaic.version = 14 : i64} {
  func.func @_emb_kernel(%arg0: i32, %arg1: i32, %arg2: memref<32x50x128xi32, #tpu.memory_space<hbm>>, %arg3: memref<204800x32xf32, #tpu.memory_space<hbm>>, %arg4: memref<100000x128xf32, #tpu.memory_space<hbm>>, %arg5: memref<204800x160xf32, #tpu.memory_space<hbm>>, %arg6: memref<50x128xi32, #tpu.memory_space<vmem>>, %arg7: memref<3x128x128xf32, #tpu.memory_space<vmem>>, %arg8: memref<3x128x32xf32, #tpu.memory_space<vmem>>, %arg9: memref<3x!tpu.dma_semaphore, #tpu.memory_space<semaphore_mem>>, %arg10: memref<3x!tpu.dma_semaphore, #tpu.memory_space<semaphore_mem>>) attributes {dimension_semantics = [#tpu.dimension_semantics<core_parallel>, #tpu.dimension_semantics<subcore_parallel>], iteration_bounds = array<i64: 2, 16>, scalar_prefetch = 0 : i64, scratch_operands = 5 : i64, tpu.core_type = #tpu.core_type<sc_vector_subcore>, window_params = [{transform_indices = #map}, {transform_indices = #map1}, {transform_indices = #map1}, {transform_indices = #map1}]} {
    %mul3A = arith.constant 2 : i32
    %mul3A_0 = arith.muli %arg1, %mul3A : i32
    %add3A = arith.addi %mul3A_0, %arg0 : i32
    %mul3A_1 = arith.constant 6400 : i32
    %mul3A_2 = arith.muli %add3A, %mul3A_1 : i32
    "tpu.region"() ({
      %run_scoped3A = tpu.sem_alloc : memref<!tpu.dma_semaphore, #tpu.memory_space<semaphore_mem>>
      %dma_start3A_168 = arith.constant 0 : i32
      %dma_start3A_169 = arith.constant 0 : i32
      %dma_start3A_170 = tpu.memref_slice %arg2[%add3A, %dma_start3A_168, %dma_start3A_169] : memref<32x50x128xi32, #tpu.memory_space<hbm>> -> memref<1x50x128xi32, #tpu.memory_space<hbm>>
      %dma_start3A_171 = tpu.memref_squeeze %dma_start3A_170 : memref<1x50x128xi32, #tpu.memory_space<hbm>> -> memref<50x128xi32, #tpu.memory_space<hbm>>
      %dma_start3A_172 = arith.constant 0 : i32
      %dma_start3A_173 = arith.constant 0 : i32
      %dma_start3A_174 = tpu.memref_slice %arg2[%add3A, %dma_start3A_172, %dma_start3A_173] : memref<32x50x128xi32, #tpu.memory_space<hbm>> -> memref<1x50x128xi32, #tpu.memory_space<hbm>>
      %dma_start3A_175 = tpu.memref_squeeze %dma_start3A_174 : memref<1x50x128xi32, #tpu.memory_space<hbm>> -> memref<50x128xi32, #tpu.memory_space<hbm>>
      tpu.enqueue_dma source(%dma_start3A_175 : memref<50x128xi32, #tpu.memory_space<hbm>>) target(%arg6 : memref<50x128xi32, #tpu.memory_space<vmem>>) target_semaphore(%run_scoped3A : memref<!tpu.dma_semaphore, #tpu.memory_space<semaphore_mem>>)
      %dma_wait3A_176 = arith.constant 0 : i32
      %dma_wait3A_177 = arith.constant 0 : i32
      %dma_wait3A_178 = tpu.memref_slice %arg2[%add3A, %dma_wait3A_176, %dma_wait3A_177] : memref<32x50x128xi32, #tpu.memory_space<hbm>> -> memref<1x50x128xi32, #tpu.memory_space<hbm>>
      %dma_wait3A_179 = tpu.memref_squeeze %dma_wait3A_178 : memref<1x50x128xi32, #tpu.memory_space<hbm>> -> memref<50x128xi32, #tpu.memory_space<hbm>>
      %dma_wait3A_180 = arith.constant 0 : i32
      %dma_wait3A_181 = arith.constant 0 : i32
      %dma_wait3A_182 = tpu.memref_slice %arg2[%add3A, %dma_wait3A_180, %dma_wait3A_181] : memref<32x50x128xi32, #tpu.memory_space<hbm>> -> memref<1x50x128xi32, #tpu.memory_space<hbm>>
      %dma_wait3A_183 = tpu.memref_squeeze %dma_wait3A_182 : memref<1x50x128xi32, #tpu.memory_space<hbm>> -> memref<50x128xi32, #tpu.memory_space<hbm>>
      tpu.wait_dma2 semaphore(%run_scoped3A : memref<!tpu.dma_semaphore, #tpu.memory_space<semaphore_mem>>) src(%dma_wait3A_183 : memref<50x128xi32, #tpu.memory_space<hbm>>) dst(%arg6 : memref<50x128xi32, #tpu.memory_space<vmem>>)
      tpu.yield
    }) : () -> ()
    %dma_start3A = arith.constant 0 : i32
    %dma_start3A_3 = arith.constant 0 : i32
    %dma_start3A_4 = arith.constant 0 : i32
    %dma_start3A_5 = arith.constant 0 : i32
    %dma_start3A_6 = arith.constant 0 : i32
    %dma_start3A_7 = tpu.memref_slice %arg7[%dma_start3A_3, %dma_start3A_5, %dma_start3A_6] : memref<3x128x128xf32, #tpu.memory_space<vmem>> -> memref<1x128x128xf32, #tpu.memory_space<vmem>>
    %dma_start3A_8 = tpu.memref_squeeze %dma_start3A_7 : memref<1x128x128xf32, #tpu.memory_space<vmem>> -> memref<128x128xf32, #tpu.memory_space<vmem>>
    %dma_start3A_9 = arith.constant 0 : i32
    %dma_start3A_10 = tpu.memref_slice %arg6[%dma_start3A, %dma_start3A_9] : memref<50x128xi32, #tpu.memory_space<vmem>> -> memref<1x128xi32, #tpu.memory_space<vmem>>
    %dma_start3A_11 = tpu.memref_squeeze %dma_start3A_10 : memref<1x128xi32, #tpu.memory_space<vmem>> -> memref<128xi32, #tpu.memory_space<vmem>>
    %dma_start3A_12 = arith.constant 0 : i32
    %dma_start3A_13 = arith.constant 0 : i32
    %dma_start3A_14 = tpu.memref_slice %arg4[%dma_start3A_12, %dma_start3A_13] : memref<100000x128xf32, #tpu.memory_space<hbm>> -> memref<100000x128xf32, #tpu.memory_space<hbm>>
    %dma_start3A_15 = tpu.memref_slice %arg9[%dma_start3A_4] : memref<3x!tpu.dma_semaphore, #tpu.memory_space<semaphore_mem>> -> memref<1x!tpu.dma_semaphore, #tpu.memory_space<semaphore_mem>>
    %dma_start3A_16 = tpu.memref_squeeze %dma_start3A_15 : memref<1x!tpu.dma_semaphore, #tpu.memory_space<semaphore_mem>> -> memref<!tpu.dma_semaphore, #tpu.memory_space<semaphore_mem>>
    tpu.enqueue_indirect_dma source(%dma_start3A_14 : memref<100000x128xf32, #tpu.memory_space<hbm>>) target(%dma_start3A_8 : memref<128x128xf32, #tpu.memory_space<vmem>>) offsets(%dma_start3A_11 : memref<128xi32, #tpu.memory_space<vmem>>) semaphore(%dma_start3A_16 : memref<!tpu.dma_semaphore, #tpu.memory_space<semaphore_mem>>)
    %add3A_17 = arith.constant 0 : i32
    %add3A_18 = arith.addi %mul3A_2, %add3A_17 : i32
    %dma_start3A_19 = arith.constant 0 : i32
    %dma_start3A_20 = arith.constant 0 : i32
    %dma_start3A_21 = arith.constant 0 : i32
    %dma_start3A_22 = arith.constant 0 : i32
    %dma_start3A_23 = tpu.memref_slice %arg8[%dma_start3A_19, %dma_start3A_21, %dma_start3A_22] : memref<3x128x32xf32, #tpu.memory_space<vmem>> -> memref<1x128x32xf32, #tpu.memory_space<vmem>>
    %dma_start3A_24 = tpu.memref_squeeze %dma_start3A_23 : memref<1x128x32xf32, #tpu.memory_space<vmem>> -> memref<128x32xf32, #tpu.memory_space<vmem>>
    %dma_start3A_25 = arith.constant 0 : i32
    %dma_start3A_26 = tpu.memref_slice %arg3[%add3A_18, %dma_start3A_25] : memref<204800x32xf32, #tpu.memory_space<hbm>> -> memref<128x32xf32, #tpu.memory_space<hbm>>
    %dma_start3A_27 = tpu.memref_slice %arg9[%dma_start3A_20] : memref<3x!tpu.dma_semaphore, #tpu.memory_space<semaphore_mem>> -> memref<1x!tpu.dma_semaphore, #tpu.memory_space<semaphore_mem>>
    %dma_start3A_28 = tpu.memref_squeeze %dma_start3A_27 : memref<1x!tpu.dma_semaphore, #tpu.memory_space<semaphore_mem>> -> memref<!tpu.dma_semaphore, #tpu.memory_space<semaphore_mem>>
    %dma_start3A_29 = arith.constant 0 : i32
    %dma_start3A_30 = arith.constant 0 : i32
    %dma_start3A_31 = tpu.memref_slice %arg8[%dma_start3A_19, %dma_start3A_29, %dma_start3A_30] : memref<3x128x32xf32, #tpu.memory_space<vmem>> -> memref<1x128x32xf32, #tpu.memory_space<vmem>>
    %dma_start3A_32 = tpu.memref_squeeze %dma_start3A_31 : memref<1x128x32xf32, #tpu.memory_space<vmem>> -> memref<128x32xf32, #tpu.memory_space<vmem>>
    %dma_start3A_33 = arith.constant 0 : i32
    %dma_start3A_34 = tpu.memref_slice %arg3[%add3A_18, %dma_start3A_33] : memref<204800x32xf32, #tpu.memory_space<hbm>> -> memref<128x32xf32, #tpu.memory_space<hbm>>
    tpu.enqueue_dma source(%dma_start3A_34 : memref<128x32xf32, #tpu.memory_space<hbm>>) target(%dma_start3A_32 : memref<128x32xf32, #tpu.memory_space<vmem>>) target_semaphore(%dma_start3A_28 : memref<!tpu.dma_semaphore, #tpu.memory_space<semaphore_mem>>)
    %dma_start3A_35 = arith.constant 1 : i32
    %dma_start3A_36 = arith.constant 1 : i32
    %dma_start3A_37 = arith.constant 1 : i32
    %dma_start3A_38 = arith.constant 0 : i32
    %dma_start3A_39 = arith.constant 0 : i32
    %dma_start3A_40 = tpu.memref_slice %arg7[%dma_start3A_36, %dma_start3A_38, %dma_start3A_39] : memref<3x128x128xf32, #tpu.memory_space<vmem>> -> memref<1x128x128xf32, #tpu.memory_space<vmem>>
    %dma_start3A_41 = tpu.memref_squeeze %dma_start3A_40 : memref<1x128x128xf32, #tpu.memory_space<vmem>> -> memref<128x128xf32, #tpu.memory_space<vmem>>
    %dma_start3A_42 = arith.constant 0 : i32
    %dma_start3A_43 = tpu.memref_slice %arg6[%dma_start3A_35, %dma_start3A_42] : memref<50x128xi32, #tpu.memory_space<vmem>> -> memref<1x128xi32, #tpu.memory_space<vmem>>
    %dma_start3A_44 = tpu.memref_squeeze %dma_start3A_43 : memref<1x128xi32, #tpu.memory_space<vmem>> -> memref<128xi32, #tpu.memory_space<vmem>>
    %dma_start3A_45 = arith.constant 0 : i32
    %dma_start3A_46 = arith.constant 0 : i32
    %dma_start3A_47 = tpu.memref_slice %arg4[%dma_start3A_45, %dma_start3A_46] : memref<100000x128xf32, #tpu.memory_space<hbm>> -> memref<100000x128xf32, #tpu.memory_space<hbm>>
    %dma_start3A_48 = tpu.memref_slice %arg9[%dma_start3A_37] : memref<3x!tpu.dma_semaphore, #tpu.memory_space<semaphore_mem>> -> memref<1x!tpu.dma_semaphore, #tpu.memory_space<semaphore_mem>>
    %dma_start3A_49 = tpu.memref_squeeze %dma_start3A_48 : memref<1x!tpu.dma_semaphore, #tpu.memory_space<semaphore_mem>> -> memref<!tpu.dma_semaphore, #tpu.memory_space<semaphore_mem>>
    tpu.enqueue_indirect_dma source(%dma_start3A_47 : memref<100000x128xf32, #tpu.memory_space<hbm>>) target(%dma_start3A_41 : memref<128x128xf32, #tpu.memory_space<vmem>>) offsets(%dma_start3A_44 : memref<128xi32, #tpu.memory_space<vmem>>) semaphore(%dma_start3A_49 : memref<!tpu.dma_semaphore, #tpu.memory_space<semaphore_mem>>)
    %add3A_50 = arith.constant 128 : i32
    %add3A_51 = arith.addi %mul3A_2, %add3A_50 : i32
    %dma_start3A_52 = arith.constant 1 : i32
    %dma_start3A_53 = arith.constant 1 : i32
    %dma_start3A_54 = arith.constant 0 : i32
    %dma_start3A_55 = arith.constant 0 : i32
    %dma_start3A_56 = tpu.memref_slice %arg8[%dma_start3A_52, %dma_start3A_54, %dma_start3A_55] : memref<3x128x32xf32, #tpu.memory_space<vmem>> -> memref<1x128x32xf32, #tpu.memory_space<vmem>>
    %dma_start3A_57 = tpu.memref_squeeze %dma_start3A_56 : memref<1x128x32xf32, #tpu.memory_space<vmem>> -> memref<128x32xf32, #tpu.memory_space<vmem>>
    %dma_start3A_58 = arith.constant 0 : i32
    %dma_start3A_59 = tpu.memref_slice %arg3[%add3A_51, %dma_start3A_58] : memref<204800x32xf32, #tpu.memory_space<hbm>> -> memref<128x32xf32, #tpu.memory_space<hbm>>
    %dma_start3A_60 = tpu.memref_slice %arg9[%dma_start3A_53] : memref<3x!tpu.dma_semaphore, #tpu.memory_space<semaphore_mem>> -> memref<1x!tpu.dma_semaphore, #tpu.memory_space<semaphore_mem>>
    %dma_start3A_61 = tpu.memref_squeeze %dma_start3A_60 : memref<1x!tpu.dma_semaphore, #tpu.memory_space<semaphore_mem>> -> memref<!tpu.dma_semaphore, #tpu.memory_space<semaphore_mem>>
    %dma_start3A_62 = arith.constant 0 : i32
    %dma_start3A_63 = arith.constant 0 : i32
    %dma_start3A_64 = tpu.memref_slice %arg8[%dma_start3A_52, %dma_start3A_62, %dma_start3A_63] : memref<3x128x32xf32, #tpu.memory_space<vmem>> -> memref<1x128x32xf32, #tpu.memory_space<vmem>>
    %dma_start3A_65 = tpu.memref_squeeze %dma_start3A_64 : memref<1x128x32xf32, #tpu.memory_space<vmem>> -> memref<128x32xf32, #tpu.memory_space<vmem>>
    %dma_start3A_66 = arith.constant 0 : i32
    %dma_start3A_67 = tpu.memref_slice %arg3[%add3A_51, %dma_start3A_66] : memref<204800x32xf32, #tpu.memory_space<hbm>> -> memref<128x32xf32, #tpu.memory_space<hbm>>
    tpu.enqueue_dma source(%dma_start3A_67 : memref<128x32xf32, #tpu.memory_space<hbm>>) target(%dma_start3A_65 : memref<128x32xf32, #tpu.memory_space<vmem>>) target_semaphore(%dma_start3A_61 : memref<!tpu.dma_semaphore, #tpu.memory_space<semaphore_mem>>)
    %scan3A = arith.constant 0 : i32
    %scan3A_68 = arith.constant 0 : i32
    %scan3A_69 = arith.constant 50 : i32
    %scan3A_70 = arith.addi %scan3A_68, %scan3A_69 : i32
    %scan3A_71 = arith.constant 1 : i32
    scf.for %scan3A_168 = %scan3A_68 to %scan3A_70 step %scan3A_71  : i32 {
      %rem3A = arith.constant 3 : i32
      %rem3A_169 = arith.remsi %scan3A_168, %rem3A : i32
      %dma_wait3A_170 = arith.constant 0 : i32
      %dma_wait3A_171 = arith.constant 0 : i32
      %dma_wait3A_172 = tpu.memref_slice %arg7[%rem3A_169, %dma_wait3A_170, %dma_wait3A_171] : memref<3x128x128xf32, #tpu.memory_space<vmem>> -> memref<1x128x128xf32, #tpu.memory_space<vmem>>
      %dma_wait3A_173 = tpu.memref_squeeze %dma_wait3A_172 : memref<1x128x128xf32, #tpu.memory_space<vmem>> -> memref<128x128xf32, #tpu.memory_space<vmem>>
      %dma_wait3A_174 = arith.constant 0 : i32
      %dma_wait3A_175 = tpu.memref_slice %arg6[%scan3A_168, %dma_wait3A_174] : memref<50x128xi32, #tpu.memory_space<vmem>> -> memref<1x128xi32, #tpu.memory_space<vmem>>
      %dma_wait3A_176 = tpu.memref_squeeze %dma_wait3A_175 : memref<1x128xi32, #tpu.memory_space<vmem>> -> memref<128xi32, #tpu.memory_space<vmem>>
      %dma_wait3A_177 = arith.constant 0 : i32
      %dma_wait3A_178 = arith.constant 0 : i32
      %dma_wait3A_179 = tpu.memref_slice %arg4[%dma_wait3A_177, %dma_wait3A_178] : memref<100000x128xf32, #tpu.memory_space<hbm>> -> memref<100000x128xf32, #tpu.memory_space<hbm>>
      %dma_wait3A_180 = tpu.memref_slice %arg9[%rem3A_169] : memref<3x!tpu.dma_semaphore, #tpu.memory_space<semaphore_mem>> -> memref<1x!tpu.dma_semaphore, #tpu.memory_space<semaphore_mem>>
      %dma_wait3A_181 = tpu.memref_squeeze %dma_wait3A_180 : memref<1x!tpu.dma_semaphore, #tpu.memory_space<semaphore_mem>> -> memref<!tpu.dma_semaphore, #tpu.memory_space<semaphore_mem>>
      tpu.wait_indirect_dma semaphore(%dma_wait3A_181 : memref<!tpu.dma_semaphore, #tpu.memory_space<semaphore_mem>>) src(%dma_wait3A_179 : memref<100000x128xf32, #tpu.memory_space<hbm>>) dst(%dma_wait3A_173 : memref<128x128xf32, #tpu.memory_space<vmem>>)
      %mul3A_182 = arith.constant 128 : i32
      %mul3A_183 = arith.muli %scan3A_168, %mul3A_182 : i32
      %add3A_184 = arith.addi %mul3A_2, %mul3A_183 : i32
      %dma_wait3A_185 = arith.constant 0 : i32
      %dma_wait3A_186 = arith.constant 0 : i32
      %dma_wait3A_187 = tpu.memref_slice %arg8[%rem3A_169, %dma_wait3A_185, %dma_wait3A_186] : memref<3x128x32xf32, #tpu.memory_space<vmem>> -> memref<1x128x32xf32, #tpu.memory_space<vmem>>
      %dma_wait3A_188 = tpu.memref_squeeze %dma_wait3A_187 : memref<1x128x32xf32, #tpu.memory_space<vmem>> -> memref<128x32xf32, #tpu.memory_space<vmem>>
      %dma_wait3A_189 = arith.constant 0 : i32
      %dma_wait3A_190 = tpu.memref_slice %arg3[%add3A_184, %dma_wait3A_189] : memref<204800x32xf32, #tpu.memory_space<hbm>> -> memref<128x32xf32, #tpu.memory_space<hbm>>
      %dma_wait3A_191 = tpu.memref_slice %arg9[%rem3A_169] : memref<3x!tpu.dma_semaphore, #tpu.memory_space<semaphore_mem>> -> memref<1x!tpu.dma_semaphore, #tpu.memory_space<semaphore_mem>>
      %dma_wait3A_192 = tpu.memref_squeeze %dma_wait3A_191 : memref<1x!tpu.dma_semaphore, #tpu.memory_space<semaphore_mem>> -> memref<!tpu.dma_semaphore, #tpu.memory_space<semaphore_mem>>
      %dma_wait3A_193 = arith.constant 0 : i32
      %dma_wait3A_194 = arith.constant 0 : i32
      %dma_wait3A_195 = tpu.memref_slice %arg8[%rem3A_169, %dma_wait3A_193, %dma_wait3A_194] : memref<3x128x32xf32, #tpu.memory_space<vmem>> -> memref<1x128x32xf32, #tpu.memory_space<vmem>>
      %dma_wait3A_196 = tpu.memref_squeeze %dma_wait3A_195 : memref<1x128x32xf32, #tpu.memory_space<vmem>> -> memref<128x32xf32, #tpu.memory_space<vmem>>
      %dma_wait3A_197 = arith.constant 0 : i32
      %dma_wait3A_198 = tpu.memref_slice %arg3[%add3A_184, %dma_wait3A_197] : memref<204800x32xf32, #tpu.memory_space<hbm>> -> memref<128x32xf32, #tpu.memory_space<hbm>>
      tpu.wait_dma2 semaphore(%dma_wait3A_192 : memref<!tpu.dma_semaphore, #tpu.memory_space<semaphore_mem>>) src(%dma_wait3A_198 : memref<128x32xf32, #tpu.memory_space<hbm>>) dst(%dma_wait3A_196 : memref<128x32xf32, #tpu.memory_space<vmem>>)
      %mul3A_199 = arith.constant 128 : i32
      %mul3A_200 = arith.muli %scan3A_168, %mul3A_199 : i32
      %add3A_201 = arith.addi %mul3A_2, %mul3A_200 : i32
      %dma_start3A_202 = arith.constant 0 : i32
      %dma_start3A_203 = arith.constant 0 : i32
      %dma_start3A_204 = tpu.memref_slice %arg7[%rem3A_169, %dma_start3A_202, %dma_start3A_203] : memref<3x128x128xf32, #tpu.memory_space<vmem>> -> memref<1x128x128xf32, #tpu.memory_space<vmem>>
      %dma_start3A_205 = tpu.memref_squeeze %dma_start3A_204 : memref<1x128x128xf32, #tpu.memory_space<vmem>> -> memref<128x128xf32, #tpu.memory_space<vmem>>
      %dma_start3A_206 = arith.constant 0 : i32
      %dma_start3A_207 = tpu.memref_slice %arg5[%add3A_201, %dma_start3A_206] : memref<204800x160xf32, #tpu.memory_space<hbm>> -> memref<128x128xf32, #tpu.memory_space<hbm>>
      %dma_start3A_208 = tpu.memref_slice %arg10[%rem3A_169] : memref<3x!tpu.dma_semaphore, #tpu.memory_space<semaphore_mem>> -> memref<1x!tpu.dma_semaphore, #tpu.memory_space<semaphore_mem>>
      %dma_start3A_209 = tpu.memref_squeeze %dma_start3A_208 : memref<1x!tpu.dma_semaphore, #tpu.memory_space<semaphore_mem>> -> memref<!tpu.dma_semaphore, #tpu.memory_space<semaphore_mem>>
      %dma_start3A_210 = arith.constant 0 : i32
      %dma_start3A_211 = tpu.memref_slice %arg5[%add3A_201, %dma_start3A_210] : memref<204800x160xf32, #tpu.memory_space<hbm>> -> memref<128x128xf32, #tpu.memory_space<hbm>>
      %dma_start3A_212 = arith.constant 0 : i32
      %dma_start3A_213 = arith.constant 0 : i32
      %dma_start3A_214 = tpu.memref_slice %arg7[%rem3A_169, %dma_start3A_212, %dma_start3A_213] : memref<3x128x128xf32, #tpu.memory_space<vmem>> -> memref<1x128x128xf32, #tpu.memory_space<vmem>>
      %dma_start3A_215 = tpu.memref_squeeze %dma_start3A_214 : memref<1x128x128xf32, #tpu.memory_space<vmem>> -> memref<128x128xf32, #tpu.memory_space<vmem>>
      tpu.enqueue_dma source(%dma_start3A_215 : memref<128x128xf32, #tpu.memory_space<vmem>>) target(%dma_start3A_211 : memref<128x128xf32, #tpu.memory_space<hbm>>) target_semaphore(%dma_start3A_209 : memref<!tpu.dma_semaphore, #tpu.memory_space<semaphore_mem>>)
      %mul3A_216 = arith.constant 128 : i32
      %mul3A_217 = arith.muli %scan3A_168, %mul3A_216 : i32
      %add3A_218 = arith.addi %mul3A_2, %mul3A_217 : i32
      %dma_start3A_219 = arith.constant 0 : i32
      %dma_start3A_220 = arith.constant 0 : i32
      %dma_start3A_221 = tpu.memref_slice %arg8[%rem3A_169, %dma_start3A_219, %dma_start3A_220] : memref<3x128x32xf32, #tpu.memory_space<vmem>> -> memref<1x128x32xf32, #tpu.memory_space<vmem>>
      %dma_start3A_222 = tpu.memref_squeeze %dma_start3A_221 : memref<1x128x32xf32, #tpu.memory_space<vmem>> -> memref<128x32xf32, #tpu.memory_space<vmem>>
      %dma_start3A_223 = arith.constant 128 : i32
      %dma_start3A_224 = tpu.memref_slice %arg5[%add3A_218, %dma_start3A_223] : memref<204800x160xf32, #tpu.memory_space<hbm>> -> memref<128x32xf32, #tpu.memory_space<hbm>>
      %dma_start3A_225 = tpu.memref_slice %arg10[%rem3A_169] : memref<3x!tpu.dma_semaphore, #tpu.memory_space<semaphore_mem>> -> memref<1x!tpu.dma_semaphore, #tpu.memory_space<semaphore_mem>>
      %dma_start3A_226 = tpu.memref_squeeze %dma_start3A_225 : memref<1x!tpu.dma_semaphore, #tpu.memory_space<semaphore_mem>> -> memref<!tpu.dma_semaphore, #tpu.memory_space<semaphore_mem>>
      %dma_start3A_227 = arith.constant 128 : i32
      %dma_start3A_228 = tpu.memref_slice %arg5[%add3A_218, %dma_start3A_227] : memref<204800x160xf32, #tpu.memory_space<hbm>> -> memref<128x32xf32, #tpu.memory_space<hbm>>
      %dma_start3A_229 = arith.constant 0 : i32
      %dma_start3A_230 = arith.constant 0 : i32
      %dma_start3A_231 = tpu.memref_slice %arg8[%rem3A_169, %dma_start3A_229, %dma_start3A_230] : memref<3x128x32xf32, #tpu.memory_space<vmem>> -> memref<1x128x32xf32, #tpu.memory_space<vmem>>
      %dma_start3A_232 = tpu.memref_squeeze %dma_start3A_231 : memref<1x128x32xf32, #tpu.memory_space<vmem>> -> memref<128x32xf32, #tpu.memory_space<vmem>>
      tpu.enqueue_dma source(%dma_start3A_232 : memref<128x32xf32, #tpu.memory_space<vmem>>) target(%dma_start3A_228 : memref<128x32xf32, #tpu.memory_space<hbm>>) target_semaphore(%dma_start3A_226 : memref<!tpu.dma_semaphore, #tpu.memory_space<semaphore_mem>>)
      %add3A_233 = arith.constant 2 : i32
      %add3A_234 = arith.addi %scan3A_168, %add3A_233 : i32
      %rem3A_235 = arith.constant 3 : i32
      %rem3A_236 = arith.remsi %add3A_234, %rem3A_235 : i32
      %add3A_237 = arith.constant 2 : i32
      %add3A_238 = arith.addi %scan3A_168, %add3A_237 : i32
      %lt3A = arith.constant 50 : i32
      %lt3A_239 = arith.cmpi slt, %add3A_238, %lt3A : i32
      %ge3A = arith.constant 1 : i32
      %ge3A_240 = arith.cmpi sge, %scan3A_168, %ge3A : i32
      %and3A = arith.andi %lt3A_239, %ge3A_240 : i1
      %convert_element_type3A = arith.extui %and3A : i1 to i32
      %cond3A = arith.constant 0 : i32
      %cond3A_241 = arith.cmpi ne, %convert_element_type3A, %cond3A : i32
      scf.if %cond3A_241 {
        %dma_wait3A_249 = arith.constant 0 : i32
        %dma_wait3A_250 = arith.constant 0 : i32
        %dma_wait3A_251 = tpu.memref_slice %arg7[%rem3A_236, %dma_wait3A_249, %dma_wait3A_250] : memref<3x128x128xf32, #tpu.memory_space<vmem>> -> memref<1x128x128xf32, #tpu.memory_space<vmem>>
        %dma_wait3A_252 = tpu.memref_squeeze %dma_wait3A_251 : memref<1x128x128xf32, #tpu.memory_space<vmem>> -> memref<128x128xf32, #tpu.memory_space<vmem>>
        %dma_wait3A_253 = arith.constant 0 : i32
        %dma_wait3A_254 = tpu.memref_slice %arg5[%mul3A_2, %dma_wait3A_253] : memref<204800x160xf32, #tpu.memory_space<hbm>> -> memref<128x128xf32, #tpu.memory_space<hbm>>
        %dma_wait3A_255 = tpu.memref_slice %arg10[%rem3A_236] : memref<3x!tpu.dma_semaphore, #tpu.memory_space<semaphore_mem>> -> memref<1x!tpu.dma_semaphore, #tpu.memory_space<semaphore_mem>>
        %dma_wait3A_256 = tpu.memref_squeeze %dma_wait3A_255 : memref<1x!tpu.dma_semaphore, #tpu.memory_space<semaphore_mem>> -> memref<!tpu.dma_semaphore, #tpu.memory_space<semaphore_mem>>
        %dma_wait3A_257 = arith.constant 0 : i32
        %dma_wait3A_258 = tpu.memref_slice %arg5[%mul3A_2, %dma_wait3A_257] : memref<204800x160xf32, #tpu.memory_space<hbm>> -> memref<128x128xf32, #tpu.memory_space<hbm>>
        %dma_wait3A_259 = arith.constant 0 : i32
        %dma_wait3A_260 = arith.constant 0 : i32
        %dma_wait3A_261 = tpu.memref_slice %arg7[%rem3A_236, %dma_wait3A_259, %dma_wait3A_260] : memref<3x128x128xf32, #tpu.memory_space<vmem>> -> memref<1x128x128xf32, #tpu.memory_space<vmem>>
        %dma_wait3A_262 = tpu.memref_squeeze %dma_wait3A_261 : memref<1x128x128xf32, #tpu.memory_space<vmem>> -> memref<128x128xf32, #tpu.memory_space<vmem>>
        tpu.wait_dma2 semaphore(%dma_wait3A_256 : memref<!tpu.dma_semaphore, #tpu.memory_space<semaphore_mem>>) src(%dma_wait3A_262 : memref<128x128xf32, #tpu.memory_space<vmem>>) dst(%dma_wait3A_258 : memref<128x128xf32, #tpu.memory_space<hbm>>)
        %dma_wait3A_263 = arith.constant 0 : i32
        %dma_wait3A_264 = arith.constant 0 : i32
        %dma_wait3A_265 = tpu.memref_slice %arg8[%rem3A_236, %dma_wait3A_263, %dma_wait3A_264] : memref<3x128x32xf32, #tpu.memory_space<vmem>> -> memref<1x128x32xf32, #tpu.memory_space<vmem>>
        %dma_wait3A_266 = tpu.memref_squeeze %dma_wait3A_265 : memref<1x128x32xf32, #tpu.memory_space<vmem>> -> memref<128x32xf32, #tpu.memory_space<vmem>>
        %dma_wait3A_267 = arith.constant 128 : i32
        %dma_wait3A_268 = tpu.memref_slice %arg5[%mul3A_2, %dma_wait3A_267] : memref<204800x160xf32, #tpu.memory_space<hbm>> -> memref<128x32xf32, #tpu.memory_space<hbm>>
        %dma_wait3A_269 = tpu.memref_slice %arg10[%rem3A_236] : memref<3x!tpu.dma_semaphore, #tpu.memory_space<semaphore_mem>> -> memref<1x!tpu.dma_semaphore, #tpu.memory_space<semaphore_mem>>
        %dma_wait3A_270 = tpu.memref_squeeze %dma_wait3A_269 : memref<1x!tpu.dma_semaphore, #tpu.memory_space<semaphore_mem>> -> memref<!tpu.dma_semaphore, #tpu.memory_space<semaphore_mem>>
        %dma_wait3A_271 = arith.constant 128 : i32
        %dma_wait3A_272 = tpu.memref_slice %arg5[%mul3A_2, %dma_wait3A_271] : memref<204800x160xf32, #tpu.memory_space<hbm>> -> memref<128x32xf32, #tpu.memory_space<hbm>>
        %dma_wait3A_273 = arith.constant 0 : i32
        %dma_wait3A_274 = arith.constant 0 : i32
        %dma_wait3A_275 = tpu.memref_slice %arg8[%rem3A_236, %dma_wait3A_273, %dma_wait3A_274] : memref<3x128x32xf32, #tpu.memory_space<vmem>> -> memref<1x128x32xf32, #tpu.memory_space<vmem>>
        %dma_wait3A_276 = tpu.memref_squeeze %dma_wait3A_275 : memref<1x128x32xf32, #tpu.memory_space<vmem>> -> memref<128x32xf32, #tpu.memory_space<vmem>>
        tpu.wait_dma2 semaphore(%dma_wait3A_270 : memref<!tpu.dma_semaphore, #tpu.memory_space<semaphore_mem>>) src(%dma_wait3A_276 : memref<128x32xf32, #tpu.memory_space<vmem>>) dst(%dma_wait3A_272 : memref<128x32xf32, #tpu.memory_space<hbm>>)
      } else {
      }
      %add3A_242 = arith.constant 2 : i32
      %add3A_243 = arith.addi %scan3A_168, %add3A_242 : i32
      %lt3A_244 = arith.constant 50 : i32
      %lt3A_245 = arith.cmpi slt, %add3A_243, %lt3A_244 : i32
      %convert_element_type3A_246 = arith.extui %lt3A_245 : i1 to i32
      %cond3A_247 = arith.constant 0 : i32
      %cond3A_248 = arith.cmpi ne, %convert_element_type3A_246, %cond3A_247 : i32
      scf.if %cond3A_248 {
        %add3A_249 = arith.constant 2 : i32
        %add3A_250 = arith.addi %scan3A_168, %add3A_249 : i32
        %dma_start3A_251 = arith.constant 0 : i32
        %dma_start3A_252 = arith.constant 0 : i32
        %dma_start3A_253 = tpu.memref_slice %arg7[%rem3A_236, %dma_start3A_251, %dma_start3A_252] : memref<3x128x128xf32, #tpu.memory_space<vmem>> -> memref<1x128x128xf32, #tpu.memory_space<vmem>>
        %dma_start3A_254 = tpu.memref_squeeze %dma_start3A_253 : memref<1x128x128xf32, #tpu.memory_space<vmem>> -> memref<128x128xf32, #tpu.memory_space<vmem>>
        %dma_start3A_255 = arith.constant 0 : i32
        %dma_start3A_256 = tpu.memref_slice %arg6[%add3A_250, %dma_start3A_255] : memref<50x128xi32, #tpu.memory_space<vmem>> -> memref<1x128xi32, #tpu.memory_space<vmem>>
        %dma_start3A_257 = tpu.memref_squeeze %dma_start3A_256 : memref<1x128xi32, #tpu.memory_space<vmem>> -> memref<128xi32, #tpu.memory_space<vmem>>
        %dma_start3A_258 = arith.constant 0 : i32
        %dma_start3A_259 = arith.constant 0 : i32
        %dma_start3A_260 = tpu.memref_slice %arg4[%dma_start3A_258, %dma_start3A_259] : memref<100000x128xf32, #tpu.memory_space<hbm>> -> memref<100000x128xf32, #tpu.memory_space<hbm>>
        %dma_start3A_261 = tpu.memref_slice %arg9[%rem3A_236] : memref<3x!tpu.dma_semaphore, #tpu.memory_space<semaphore_mem>> -> memref<1x!tpu.dma_semaphore, #tpu.memory_space<semaphore_mem>>
        %dma_start3A_262 = tpu.memref_squeeze %dma_start3A_261 : memref<1x!tpu.dma_semaphore, #tpu.memory_space<semaphore_mem>> -> memref<!tpu.dma_semaphore, #tpu.memory_space<semaphore_mem>>
        tpu.enqueue_indirect_dma source(%dma_start3A_260 : memref<100000x128xf32, #tpu.memory_space<hbm>>) target(%dma_start3A_254 : memref<128x128xf32, #tpu.memory_space<vmem>>) offsets(%dma_start3A_257 : memref<128xi32, #tpu.memory_space<vmem>>) semaphore(%dma_start3A_262 : memref<!tpu.dma_semaphore, #tpu.memory_space<semaphore_mem>>)
        %mul3A_263 = arith.constant 128 : i32
        %mul3A_264 = arith.muli %add3A_250, %mul3A_263 : i32
        %add3A_265 = arith.addi %mul3A_2, %mul3A_264 : i32
        %dma_start3A_266 = arith.constant 0 : i32
        %dma_start3A_267 = arith.constant 0 : i32
        %dma_start3A_268 = tpu.memref_slice %arg8[%rem3A_236, %dma_start3A_266, %dma_start3A_267] : memref<3x128x32xf32, #tpu.memory_space<vmem>> -> memref<1x128x32xf32, #tpu.memory_space<vmem>>
        %dma_start3A_269 = tpu.memref_squeeze %dma_start3A_268 : memref<1x128x32xf32, #tpu.memory_space<vmem>> -> memref<128x32xf32, #tpu.memory_space<vmem>>
        %dma_start3A_270 = arith.constant 0 : i32
        %dma_start3A_271 = tpu.memref_slice %arg3[%add3A_265, %dma_start3A_270] : memref<204800x32xf32, #tpu.memory_space<hbm>> -> memref<128x32xf32, #tpu.memory_space<hbm>>
        %dma_start3A_272 = tpu.memref_slice %arg9[%rem3A_236] : memref<3x!tpu.dma_semaphore, #tpu.memory_space<semaphore_mem>> -> memref<1x!tpu.dma_semaphore, #tpu.memory_space<semaphore_mem>>
        %dma_start3A_273 = tpu.memref_squeeze %dma_start3A_272 : memref<1x!tpu.dma_semaphore, #tpu.memory_space<semaphore_mem>> -> memref<!tpu.dma_semaphore, #tpu.memory_space<semaphore_mem>>
        %dma_start3A_274 = arith.constant 0 : i32
        %dma_start3A_275 = arith.constant 0 : i32
        %dma_start3A_276 = tpu.memref_slice %arg8[%rem3A_236, %dma_start3A_274, %dma_start3A_275] : memref<3x128x32xf32, #tpu.memory_space<vmem>> -> memref<1x128x32xf32, #tpu.memory_space<vmem>>
        %dma_start3A_277 = tpu.memref_squeeze %dma_start3A_276 : memref<1x128x32xf32, #tpu.memory_space<vmem>> -> memref<128x32xf32, #tpu.memory_space<vmem>>
        %dma_start3A_278 = arith.constant 0 : i32
        %dma_start3A_279 = tpu.memref_slice %arg3[%add3A_265, %dma_start3A_278] : memref<204800x32xf32, #tpu.memory_space<hbm>> -> memref<128x32xf32, #tpu.memory_space<hbm>>
        tpu.enqueue_dma source(%dma_start3A_279 : memref<128x32xf32, #tpu.memory_space<hbm>>) target(%dma_start3A_277 : memref<128x32xf32, #tpu.memory_space<vmem>>) target_semaphore(%dma_start3A_273 : memref<!tpu.dma_semaphore, #tpu.memory_space<semaphore_mem>>)
      } else {
      }
    }
    %scan3A_72 = arith.constant 50 : i32
    %dma_wait3A = arith.constant 0 : i32
    %dma_wait3A_73 = arith.constant 0 : i32
    %dma_wait3A_74 = arith.constant 0 : i32
    %dma_wait3A_75 = arith.constant 0 : i32
    %dma_wait3A_76 = tpu.memref_slice %arg7[%dma_wait3A, %dma_wait3A_74, %dma_wait3A_75] : memref<3x128x128xf32, #tpu.memory_space<vmem>> -> memref<1x128x128xf32, #tpu.memory_space<vmem>>
    %dma_wait3A_77 = tpu.memref_squeeze %dma_wait3A_76 : memref<1x128x128xf32, #tpu.memory_space<vmem>> -> memref<128x128xf32, #tpu.memory_space<vmem>>
    %dma_wait3A_78 = arith.constant 0 : i32
    %dma_wait3A_79 = tpu.memref_slice %arg5[%mul3A_2, %dma_wait3A_78] : memref<204800x160xf32, #tpu.memory_space<hbm>> -> memref<128x128xf32, #tpu.memory_space<hbm>>
    %dma_wait3A_80 = tpu.memref_slice %arg10[%dma_wait3A_73] : memref<3x!tpu.dma_semaphore, #tpu.memory_space<semaphore_mem>> -> memref<1x!tpu.dma_semaphore, #tpu.memory_space<semaphore_mem>>
    %dma_wait3A_81 = tpu.memref_squeeze %dma_wait3A_80 : memref<1x!tpu.dma_semaphore, #tpu.memory_space<semaphore_mem>> -> memref<!tpu.dma_semaphore, #tpu.memory_space<semaphore_mem>>
    %dma_wait3A_82 = arith.constant 0 : i32
    %dma_wait3A_83 = tpu.memref_slice %arg5[%mul3A_2, %dma_wait3A_82] : memref<204800x160xf32, #tpu.memory_space<hbm>> -> memref<128x128xf32, #tpu.memory_space<hbm>>
    %dma_wait3A_84 = arith.constant 0 : i32
    %dma_wait3A_85 = arith.constant 0 : i32
    %dma_wait3A_86 = tpu.memref_slice %arg7[%dma_wait3A, %dma_wait3A_84, %dma_wait3A_85] : memref<3x128x128xf32, #tpu.memory_space<vmem>> -> memref<1x128x128xf32, #tpu.memory_space<vmem>>
    %dma_wait3A_87 = tpu.memref_squeeze %dma_wait3A_86 : memref<1x128x128xf32, #tpu.memory_space<vmem>> -> memref<128x128xf32, #tpu.memory_space<vmem>>
    tpu.wait_dma2 semaphore(%dma_wait3A_81 : memref<!tpu.dma_semaphore, #tpu.memory_space<semaphore_mem>>) src(%dma_wait3A_87 : memref<128x128xf32, #tpu.memory_space<vmem>>) dst(%dma_wait3A_83 : memref<128x128xf32, #tpu.memory_space<hbm>>)
    %dma_wait3A_88 = arith.constant 0 : i32
    %dma_wait3A_89 = arith.constant 0 : i32
    %dma_wait3A_90 = arith.constant 0 : i32
    %dma_wait3A_91 = arith.constant 0 : i32
    %dma_wait3A_92 = tpu.memref_slice %arg8[%dma_wait3A_88, %dma_wait3A_90, %dma_wait3A_91] : memref<3x128x32xf32, #tpu.memory_space<vmem>> -> memref<1x128x32xf32, #tpu.memory_space<vmem>>
    %dma_wait3A_93 = tpu.memref_squeeze %dma_wait3A_92 : memref<1x128x32xf32, #tpu.memory_space<vmem>> -> memref<128x32xf32, #tpu.memory_space<vmem>>
    %dma_wait3A_94 = arith.constant 128 : i32
    %dma_wait3A_95 = tpu.memref_slice %arg5[%mul3A_2, %dma_wait3A_94] : memref<204800x160xf32, #tpu.memory_space<hbm>> -> memref<128x32xf32, #tpu.memory_space<hbm>>
    %dma_wait3A_96 = tpu.memref_slice %arg10[%dma_wait3A_89] : memref<3x!tpu.dma_semaphore, #tpu.memory_space<semaphore_mem>> -> memref<1x!tpu.dma_semaphore, #tpu.memory_space<semaphore_mem>>
    %dma_wait3A_97 = tpu.memref_squeeze %dma_wait3A_96 : memref<1x!tpu.dma_semaphore, #tpu.memory_space<semaphore_mem>> -> memref<!tpu.dma_semaphore, #tpu.memory_space<semaphore_mem>>
    %dma_wait3A_98 = arith.constant 128 : i32
    %dma_wait3A_99 = tpu.memref_slice %arg5[%mul3A_2, %dma_wait3A_98] : memref<204800x160xf32, #tpu.memory_space<hbm>> -> memref<128x32xf32, #tpu.memory_space<hbm>>
    %dma_wait3A_100 = arith.constant 0 : i32
    %dma_wait3A_101 = arith.constant 0 : i32
    %dma_wait3A_102 = tpu.memref_slice %arg8[%dma_wait3A_88, %dma_wait3A_100, %dma_wait3A_101] : memref<3x128x32xf32, #tpu.memory_space<vmem>> -> memref<1x128x32xf32, #tpu.memory_space<vmem>>
    %dma_wait3A_103 = tpu.memref_squeeze %dma_wait3A_102 : memref<1x128x32xf32, #tpu.memory_space<vmem>> -> memref<128x32xf32, #tpu.memory_space<vmem>>
    tpu.wait_dma2 semaphore(%dma_wait3A_97 : memref<!tpu.dma_semaphore, #tpu.memory_space<semaphore_mem>>) src(%dma_wait3A_103 : memref<128x32xf32, #tpu.memory_space<vmem>>) dst(%dma_wait3A_99 : memref<128x32xf32, #tpu.memory_space<hbm>>)
    %dma_wait3A_104 = arith.constant 1 : i32
    %dma_wait3A_105 = arith.constant 1 : i32
    %dma_wait3A_106 = arith.constant 0 : i32
    %dma_wait3A_107 = arith.constant 0 : i32
    %dma_wait3A_108 = tpu.memref_slice %arg7[%dma_wait3A_104, %dma_wait3A_106, %dma_wait3A_107] : memref<3x128x128xf32, #tpu.memory_space<vmem>> -> memref<1x128x128xf32, #tpu.memory_space<vmem>>
    %dma_wait3A_109 = tpu.memref_squeeze %dma_wait3A_108 : memref<1x128x128xf32, #tpu.memory_space<vmem>> -> memref<128x128xf32, #tpu.memory_space<vmem>>
    %dma_wait3A_110 = arith.constant 0 : i32
    %dma_wait3A_111 = tpu.memref_slice %arg5[%mul3A_2, %dma_wait3A_110] : memref<204800x160xf32, #tpu.memory_space<hbm>> -> memref<128x128xf32, #tpu.memory_space<hbm>>
    %dma_wait3A_112 = tpu.memref_slice %arg10[%dma_wait3A_105] : memref<3x!tpu.dma_semaphore, #tpu.memory_space<semaphore_mem>> -> memref<1x!tpu.dma_semaphore, #tpu.memory_space<semaphore_mem>>
    %dma_wait3A_113 = tpu.memref_squeeze %dma_wait3A_112 : memref<1x!tpu.dma_semaphore, #tpu.memory_space<semaphore_mem>> -> memref<!tpu.dma_semaphore, #tpu.memory_space<semaphore_mem>>
    %dma_wait3A_114 = arith.constant 0 : i32
    %dma_wait3A_115 = tpu.memref_slice %arg5[%mul3A_2, %dma_wait3A_114] : memref<204800x160xf32, #tpu.memory_space<hbm>> -> memref<128x128xf32, #tpu.memory_space<hbm>>
    %dma_wait3A_116 = arith.constant 0 : i32
    %dma_wait3A_117 = arith.constant 0 : i32
    %dma_wait3A_118 = tpu.memref_slice %arg7[%dma_wait3A_104, %dma_wait3A_116, %dma_wait3A_117] : memref<3x128x128xf32, #tpu.memory_space<vmem>> -> memref<1x128x128xf32, #tpu.memory_space<vmem>>
    %dma_wait3A_119 = tpu.memref_squeeze %dma_wait3A_118 : memref<1x128x128xf32, #tpu.memory_space<vmem>> -> memref<128x128xf32, #tpu.memory_space<vmem>>
    tpu.wait_dma2 semaphore(%dma_wait3A_113 : memref<!tpu.dma_semaphore, #tpu.memory_space<semaphore_mem>>) src(%dma_wait3A_119 : memref<128x128xf32, #tpu.memory_space<vmem>>) dst(%dma_wait3A_115 : memref<128x128xf32, #tpu.memory_space<hbm>>)
    %dma_wait3A_120 = arith.constant 1 : i32
    %dma_wait3A_121 = arith.constant 1 : i32
    %dma_wait3A_122 = arith.constant 0 : i32
    %dma_wait3A_123 = arith.constant 0 : i32
    %dma_wait3A_124 = tpu.memref_slice %arg8[%dma_wait3A_120, %dma_wait3A_122, %dma_wait3A_123] : memref<3x128x32xf32, #tpu.memory_space<vmem>> -> memref<1x128x32xf32, #tpu.memory_space<vmem>>
    %dma_wait3A_125 = tpu.memref_squeeze %dma_wait3A_124 : memref<1x128x32xf32, #tpu.memory_space<vmem>> -> memref<128x32xf32, #tpu.memory_space<vmem>>
    %dma_wait3A_126 = arith.constant 128 : i32
    %dma_wait3A_127 = tpu.memref_slice %arg5[%mul3A_2, %dma_wait3A_126] : memref<204800x160xf32, #tpu.memory_space<hbm>> -> memref<128x32xf32, #tpu.memory_space<hbm>>
    %dma_wait3A_128 = tpu.memref_slice %arg10[%dma_wait3A_121] : memref<3x!tpu.dma_semaphore, #tpu.memory_space<semaphore_mem>> -> memref<1x!tpu.dma_semaphore, #tpu.memory_space<semaphore_mem>>
    %dma_wait3A_129 = tpu.memref_squeeze %dma_wait3A_128 : memref<1x!tpu.dma_semaphore, #tpu.memory_space<semaphore_mem>> -> memref<!tpu.dma_semaphore, #tpu.memory_space<semaphore_mem>>
    %dma_wait3A_130 = arith.constant 128 : i32
    %dma_wait3A_131 = tpu.memref_slice %arg5[%mul3A_2, %dma_wait3A_130] : memref<204800x160xf32, #tpu.memory_space<hbm>> -> memref<128x32xf32, #tpu.memory_space<hbm>>
    %dma_wait3A_132 = arith.constant 0 : i32
    %dma_wait3A_133 = arith.constant 0 : i32
    %dma_wait3A_134 = tpu.memref_slice %arg8[%dma_wait3A_120, %dma_wait3A_132, %dma_wait3A_133] : memref<3x128x32xf32, #tpu.memory_space<vmem>> -> memref<1x128x32xf32, #tpu.memory_space<vmem>>
    %dma_wait3A_135 = tpu.memref_squeeze %dma_wait3A_134 : memref<1x128x32xf32, #tpu.memory_space<vmem>> -> memref<128x32xf32, #tpu.memory_space<vmem>>
    tpu.wait_dma2 semaphore(%dma_wait3A_129 : memref<!tpu.dma_semaphore, #tpu.memory_space<semaphore_mem>>) src(%dma_wait3A_135 : memref<128x32xf32, #tpu.memory_space<vmem>>) dst(%dma_wait3A_131 : memref<128x32xf32, #tpu.memory_space<hbm>>)
    %dma_wait3A_136 = arith.constant 2 : i32
    %dma_wait3A_137 = arith.constant 2 : i32
    %dma_wait3A_138 = arith.constant 0 : i32
    %dma_wait3A_139 = arith.constant 0 : i32
    %dma_wait3A_140 = tpu.memref_slice %arg7[%dma_wait3A_136, %dma_wait3A_138, %dma_wait3A_139] : memref<3x128x128xf32, #tpu.memory_space<vmem>> -> memref<1x128x128xf32, #tpu.memory_space<vmem>>
    %dma_wait3A_141 = tpu.memref_squeeze %dma_wait3A_140 : memref<1x128x128xf32, #tpu.memory_space<vmem>> -> memref<128x128xf32, #tpu.memory_space<vmem>>
    %dma_wait3A_142 = arith.constant 0 : i32
    %dma_wait3A_143 = tpu.memref_slice %arg5[%mul3A_2, %dma_wait3A_142] : memref<204800x160xf32, #tpu.memory_space<hbm>> -> memref<128x128xf32, #tpu.memory_space<hbm>>
    %dma_wait3A_144 = tpu.memref_slice %arg10[%dma_wait3A_137] : memref<3x!tpu.dma_semaphore, #tpu.memory_space<semaphore_mem>> -> memref<1x!tpu.dma_semaphore, #tpu.memory_space<semaphore_mem>>
    %dma_wait3A_145 = tpu.memref_squeeze %dma_wait3A_144 : memref<1x!tpu.dma_semaphore, #tpu.memory_space<semaphore_mem>> -> memref<!tpu.dma_semaphore, #tpu.memory_space<semaphore_mem>>
    %dma_wait3A_146 = arith.constant 0 : i32
    %dma_wait3A_147 = tpu.memref_slice %arg5[%mul3A_2, %dma_wait3A_146] : memref<204800x160xf32, #tpu.memory_space<hbm>> -> memref<128x128xf32, #tpu.memory_space<hbm>>
    %dma_wait3A_148 = arith.constant 0 : i32
    %dma_wait3A_149 = arith.constant 0 : i32
    %dma_wait3A_150 = tpu.memref_slice %arg7[%dma_wait3A_136, %dma_wait3A_148, %dma_wait3A_149] : memref<3x128x128xf32, #tpu.memory_space<vmem>> -> memref<1x128x128xf32, #tpu.memory_space<vmem>>
    %dma_wait3A_151 = tpu.memref_squeeze %dma_wait3A_150 : memref<1x128x128xf32, #tpu.memory_space<vmem>> -> memref<128x128xf32, #tpu.memory_space<vmem>>
    tpu.wait_dma2 semaphore(%dma_wait3A_145 : memref<!tpu.dma_semaphore, #tpu.memory_space<semaphore_mem>>) src(%dma_wait3A_151 : memref<128x128xf32, #tpu.memory_space<vmem>>) dst(%dma_wait3A_147 : memref<128x128xf32, #tpu.memory_space<hbm>>)
    %dma_wait3A_152 = arith.constant 2 : i32
    %dma_wait3A_153 = arith.constant 2 : i32
    %dma_wait3A_154 = arith.constant 0 : i32
    %dma_wait3A_155 = arith.constant 0 : i32
    %dma_wait3A_156 = tpu.memref_slice %arg8[%dma_wait3A_152, %dma_wait3A_154, %dma_wait3A_155] : memref<3x128x32xf32, #tpu.memory_space<vmem>> -> memref<1x128x32xf32, #tpu.memory_space<vmem>>
    %dma_wait3A_157 = tpu.memref_squeeze %dma_wait3A_156 : memref<1x128x32xf32, #tpu.memory_space<vmem>> -> memref<128x32xf32, #tpu.memory_space<vmem>>
    %dma_wait3A_158 = arith.constant 128 : i32
    %dma_wait3A_159 = tpu.memref_slice %arg5[%mul3A_2, %dma_wait3A_158] : memref<204800x160xf32, #tpu.memory_space<hbm>> -> memref<128x32xf32, #tpu.memory_space<hbm>>
    %dma_wait3A_160 = tpu.memref_slice %arg10[%dma_wait3A_153] : memref<3x!tpu.dma_semaphore, #tpu.memory_space<semaphore_mem>> -> memref<1x!tpu.dma_semaphore, #tpu.memory_space<semaphore_mem>>
    %dma_wait3A_161 = tpu.memref_squeeze %dma_wait3A_160 : memref<1x!tpu.dma_semaphore, #tpu.memory_space<semaphore_mem>> -> memref<!tpu.dma_semaphore, #tpu.memory_space<semaphore_mem>>
    %dma_wait3A_162 = arith.constant 128 : i32
    %dma_wait3A_163 = tpu.memref_slice %arg5[%mul3A_2, %dma_wait3A_162] : memref<204800x160xf32, #tpu.memory_space<hbm>> -> memref<128x32xf32, #tpu.memory_space<hbm>>
    %dma_wait3A_164 = arith.constant 0 : i32
    %dma_wait3A_165 = arith.constant 0 : i32
    %dma_wait3A_166 = tpu.memref_slice %arg8[%dma_wait3A_152, %dma_wait3A_164, %dma_wait3A_165] : memref<3x128x32xf32, #tpu.memory_space<vmem>> -> memref<1x128x32xf32, #tpu.memory_space<vmem>>
    %dma_wait3A_167 = tpu.memref_squeeze %dma_wait3A_166 : memref<1x128x32xf32, #tpu.memory_space<vmem>> -> memref<128x32xf32, #tpu.memory_space<vmem>>
    tpu.wait_dma2 semaphore(%dma_wait3A_161 : memref<!tpu.dma_semaphore, #tpu.memory_space<semaphore_mem>>) src(%dma_wait3A_167 : memref<128x32xf32, #tpu.memory_space<vmem>>) dst(%dma_wait3A_163 : memref<128x32xf32, #tpu.memory_space<hbm>>)
    return
  }
}

</mosaic_0001>

<sc_bundles>
// kernel: kernel.3.cloned.1.call-start
scs
__scs_entry_jumppad:
0x0: {  	(pc) =	sbr.rel $0x88, $3  }
0x1: {  	(tag) =	ssettag $0x0;
	lr =	simm.s32 $0x1  }
0x2: {  	[smem:$0x3F9E] =	sst lr;
	_ =	strace $0xD0000000  }
0x3: {  	_ = 	snop  }
0x4: {  	_ = 	snop  }
0x5: {  	_ = 	snop  }
0x6: {  	_ = 	snop  }
0x7: {  	_ = 	snop  }
__scs_overlays_trampoline_lowered:
0x8: {  	[smem:$0x3FAD] =	sst s0  }
0x9: {  	[smem:$0x3FAE] =	sst s1  }
0xa: {  	[smem:$0x3FAF] =	sst s2  }
0xb: {  	[smem:$0x3FB0] =	sst s3  }
0xc: {  	[smem:$0x3FB1] =	sst s4  }
0xd: {  	[smem:$0x3FB2] =	sst s5  }
0xe: {  	[smem:$0x3FB3] =	sst s6  }
0xf: {  	[smem:$0x3FB4] =	sst s7  }
0x10: {  	[smem:$0x3FB5] =	sst s8  }
0x11: {  	[smem:$0x3FB6] =	sst s9;
	s0 =	simm.s32 @!p0 $0x0  }
0x12: {  	s1 =	sld [smem:$0x3F9C];
	s0 =	simm.s32 @p0 $0x1  }
0x13: {  	[smem:$0x3FB7] =	sst s0;
	s0 =	simm.s32 @!p1 $0x0  }
0x14: {  	s2 =	sld [smem:$0x3F9B];
	s0 =	simm.s32 @p1 $0x1  }
0x15: {  	[smem:$0x3FB8] =	sst s0;
	s0 =	simm.s32 @!p2 $0x0  }
0x16: {  	s3 =	sld [smem:$0x3FDB];
	s0 =	simm.s32 @p2 $0x1  }
0x17: {  	s4 =	simm.s32 $0x1BF5;
	[smem:$0x3FBA] =	sst s0  }
0x18: {  	s0 =	sld [smem:$0x3F9D];
	_ =	swait.ge [sflag:s4], $0x0  }
0x19: {  	s7 =	sld [smem:$0x3F9E]  }
0x1a: {  	s8 =	sadd.s32 $0xFFFFE003, lr  }
0x1b: {  	s9 =	sadd.s32 $0xFFFFFEF7, lr;
	s5 =	simm.s32 $0xFFFFFFFF;
	p2 =	slt.u32 s8, $0xFFFFF086  }
0x1c: {  	p1 =	slt.u32 s9, $0xF7A;
	s5 =	simm.s32 @!p2 $0x0  }
0x1d: {  	s5 =	simm.s32 @p1 $0x1;
	p0 =	seq.s32 s7, s2  }
0x1e: {  	s7 =	smul.u32 @!p0 $0xF7A, s2;
	p2 =	seq.s32 @!p0 s5, $0x0  }
0x1f: {  	s9 =	smul.u32 $0xF7A, s1;
	s8 =	simm.s32 @!p0 $0x1BF5;
	p2 =	por !p2, p0  }
0x20: {  	[sflag:s8] =	ssyncset.s32 @!p0 $0xFFFFF086;
	s6 =	sadd.s32 @!p0 s3, s7;
	s7 =	simm.s32 @!p0 $0x108  }
0x21: {  	s3 =	sadd.s32 s3, s9;
	s6 =	sadd.s32 @!p0 $0x88, s6;
	s7 =	simm.s32 @p2 $0x1082  }
0x22: {  	[simem:s7], [sflag:s8] =	dma.local @!p0 [hbm:s6], $0xF7A  }
0x23: {  	s9 =	sor.u32 $0xD0000000, s2;
	s6 =	simm.s32 $0x108;
	_ =	swait.ge @!p0 [sflag:s8], $0x0  }
0x24: {  	s3 =	sadd.s32 $0x88, s3;
	s6 =	simm.s32 @!p1 $0x1082;
	[sflag:s4] =	ssyncset.s32 $0xFFFFF086  }
0x25: {  	[simem:s6], [sflag:s4] =	dma.local [hbm:s3], $0xF7A  }
0x26: {  	[smem:$0x3F9E] =	sst s1;
	(tag) =	ssettag s2;
	_ =	strace s9  }
0x27: {  	s1 =	sld [smem:$0x3FAE]  }
0x28: {  	s2 =	sld [smem:$0x3FAF]  }
0x29: {  	s4 =	sld [smem:$0x3FB1]  }
0x2a: {  	p0 =	seq.s32 s5, $0x0;
	s5 =	sld [smem:$0x3FB2]  }
0x2b: {  	s6 =	sld [smem:$0x3FB3]  }
0x2c: {  	s7 =	sld [smem:$0x3FB4]  }
0x2d: {  	s3 =	simm.s32 $0x108;
	s8 =	sld [smem:$0x3FB5]  }
0x2e: {  	s3 =	simm.s32 @!p0 $0x1082;
	s9 =	sld [smem:$0x3FB6]  }
0x2f: {  	lr =	sadd.s32 s0, s3;
	s0 =	sld [smem:$0x3FAD]  }
0x30: {  	s3 =	sld [smem:$0x3FB0]  }
0x31: {  	[smem:$0x3FB9] =	sst s10  }
0x32: {  	s10 =	sld [smem:$0x3FB7];
	_ =	sdelay $0x3  }
0x33: {  	p0 =	seq.s32 s10, $0x1;
	s10 =	sld [smem:$0x3FB9];
	_ =	sdelay $0x3  }
0x34: {  	[smem:$0x3FB9] =	sst s10  }
0x35: {  	s10 =	sld [smem:$0x3FB8];
	_ =	sdelay $0x3  }
0x36: {  	p1 =	seq.s32 s10, $0x1;
	s10 =	sld [smem:$0x3FB9];
	_ =	sdelay $0x3  }
0x37: {  	[smem:$0x3FB9] =	sst s10  }
0x38: {  	s10 =	sld [smem:$0x3FBA]  }
0x39: {  	_ = 	snop;
	(pc) =	sbr.ind lr, $3  }
0x3a: {  	_ = 	snop  }
0x3b: {  	_ = 	snop  }
0x3c: {  	p2 =	seq.s32 s10, $0x1;
	s10 =	sld [smem:$0x3FB9]  }
0x3d: {  	_ =	shalt  }
0x3e: {  	_ =	shalt  }
0x3f: {  	_ =	shalt  }
0x40: {  	_ =	shalt  }
0x41: {  	_ =	shalt  }
0x42: {  	_ =	shalt  }
0x43: {  	_ =	shalt  }
0x44: {  	_ =	shalt  }
0x45: {  	_ =	shalt  }
0x46: {  	_ =	shalt  }
0x47: {  	_ =	shalt  }
0x48: {  	_ =	shalt  }
0x49: {  	_ =	shalt  }
0x4a: {  	_ =	shalt  }
0x4b: {  	_ =	shalt  }
0x4c: {  	_ =	shalt  }
0x4d: {  	_ =	shalt  }
0x4e: {  	_ =	shalt  }
0x4f: {  	_ =	shalt  }
0x50: {  	_ =	shalt  }
0x51: {  	_ =	shalt  }
0x52: {  	_ =	shalt  }
0x53: {  	_ =	shalt  }
0x54: {  	_ =	shalt  }
0x55: {  	_ =	shalt  }
0x56: {  	_ =	shalt  }
0x57: {  	_ =	shalt  }
0x58: {  	_ =	shalt  }
0x59: {  	_ =	shalt  }
0x5a: {  	_ =	shalt  }
0x5b: {  	_ =	shalt  }
0x5c: {  	_ =	shalt  }
0x5d: {  	_ =	shalt  }
0x5e: {  	_ =	shalt  }
0x5f: {  	_ =	shalt  }
0x60: {  	_ =	shalt  }
0x61: {  	_ =	shalt  }
0x62: {  	_ =	shalt  }
0x63: {  	_ =	shalt  }
0x64: {  	_ =	shalt  }
0x65: {  	_ =	shalt  }
0x66: {  	_ =	shalt  }
0x67: {  	_ =	shalt  }
0x68: {  	_ =	shalt  }
0x69: {  	_ =	shalt  }
0x6a: {  	_ =	shalt  }
0x6b: {  	_ =	shalt  }
0x6c: {  	_ =	shalt  }
0x6d: {  	_ =	shalt  }
0x6e: {  	_ =	shalt  }
0x6f: {  	_ =	shalt  }
0x70: {  	_ =	shalt  }
0x71: {  	_ =	shalt  }
0x72: {  	_ =	shalt  }
0x73: {  	_ =	shalt  }
0x74: {  	_ =	shalt  }
0x75: {  	_ =	shalt  }
0x76: {  	_ =	shalt  }
0x77: {  	_ =	shalt  }
0x78: {  	_ =	shalt  }
0x79: {  	_ =	shalt  }
0x7a: {  	_ =	shalt  }
0x7b: {  	_ =	shalt  }
0x7c: {  	_ =	shalt  }
0x7d: {  	_ =	shalt  }
0x7e: {  	_ =	shalt  }
0x7f: {  	_ =	shalt  }
0x80: {  	_ =	shalt  }
0x81: {  	_ =	shalt  }
0x82: {  	_ =	shalt  }
0x83: {  	_ =	shalt  }
0x84: {  	_ =	shalt  }
0x85: {  	_ =	shalt  }
0x86: {  	_ =	shalt  }
0x87: {  	_ =	shalt  }
.Lfunc_end0:
.L_simem_size_0:
called_computation.1_lowered:
.L_overlay_start_0:
0x88: {  	s2 =	sld [smem:$0x3FD9]  }
0x89: {  	s3 =	sld [smem:$0x3FFE];
	_ =	sdelay $0x1  }
0x8a: {  	s1 =	srdreg.scid  }
0x8b: {  	s0 =	sand.u32 $0x1, s1  }
0x8c: {  	s17 =	sshll.u32 s0, $0xA;
	s2 =	sadd.s32 s3, s2  }
0x8d: {  	s2 =	sadd.s32 s2, s17  }
0x8e: {  	[smem:$0x3FC5] =	sst s2  }
0x8f: {  	_ = 	snop  }
0x90: {  	s2 =	sld [smem:$0x3FC7]  }
0x91: {  	s18 =	sld [smem:$0x3FD0];
	(tm) =	ssettm $0x1  }
0x92: {  	s4 =	sld [smem:$0x3FFB];
	_ =	sdelay $0x3  }
0x93: {  	_ =	strace s4  }
0x94: {  	s4 =	sld [smem:$0x3FFC];
	_ =	sdelay $0x3  }
0x95: {  	_ =	strace s4  }
0x96: {  	s4 =	sld [smem:$0x3FFD];
	_ =	sdelay $0x3  }
0x97: {  	_ =	strace s4  }
0x98: {  	_ =	strace $0x8FFFFFFF  }
0x99: {  	s19 =	sld [smem:$0x3FDB];
	_ =	sdelay $0x1  }
0x9a: {  	s5 =	simm.s32 $_scs_section_size  }
0x9b: {  	s6 =	simm.s32 $_size__tile_overlayer_lowered;
	s7 =	simm.s32 $_tile_overlayer_lowered  }
0x9c: {  	s22 =	simm.s32 $0x1BFF;
	s21 =	sshll.u32 s7, $0x1;
	s4 =	sadd.s32 s5, s19  }
0x9d: {  	s8 =	simm.s32 $0x0;
	s20 =	sshll.u32 s6, $0x1;
	s6 =	sadd.s32 s21, s4  }
0x9e: {  	[timem:s8], [sflag:s22] =	dma.local [hbm:s6], s20  }
0x9f: {  	_ =	swait.ge [sflag:s22], s20  }
0xa0: {  	s5 =	ssub.s32 $0x0, s20;
	[sflag:s22] =	ssyncset.done $0x0  }
0xa1: {  	[sflag:s22] =	ssyncadd.s32 s5;
	_ =	sdelay $0x1  }
0xa2: {  	s23 =	simm.s32 $0x1B8B  }
0xa3: {  	_ =	swait.ge [sflag:s23], $0x1  }
0xa4: {  	[sflag:s23] =	ssyncset.done $0x0  }
0xa5: {  	s25 =	simm.s32 $0x1B8E;
	s24 =	sld [smem:$0x3FFE];
	[sflag:s23] =	ssyncadd.s32 $0xFFFFFFFF  }
0xa6: {  	s26 =	simm.s32 $execute0_lowered;
	[smem:$0x3FD2] =	sst s25  }
0xa7: {  	s6 =	sshll.u32 s26, $0x1;
	_ =	strace $0x80000046;
	[dreg:$0x1] =	wrdreg $0xFFFFFFFF  }
0xa8: {  	s28 =	simm.s32 $_size_execute0_lowered;
	s4 =	sadd.s32 s4, s6;
	[dreg:$0x0] =	wrdreg $0x0  }
0xa9: {  	s6 =	sshll.u32 s28, $0x1;
	[dreg:$0x2] =	wrdreg s4  }
0xaa: {  	[dreg:$0x3] =	wrdreg s6  }
0xab: {  	[dreg:$0x4] =	wrdreg $0xC0  }
0xac: {  	_ =	task [dreg:s8], $0x5FFFF  }
0xad: {  	[dreg:$0x1] =	wrdreg $0xFFFFFFFF  }
0xae: {  	[dreg:$0x0] =	wrdreg $0x60  }
0xaf: {  	[dreg:$0x2] =	wrdreg s24  }
0xb0: {  	[dreg:$0x3] =	wrdreg s18  }
0xb1: {  	[dreg:$0x4] =	wrdreg s2  }
0xb2: {  	[dreg:$0x5] =	wrdreg $0x9  }
0xb3: {  	_ =	task.clear_ibuf [dreg:s8], $0x6FFFF;
	_ =	strace $0x90000046  }
0xb4: {  	s29 =	simm.s32 $0x9;
	_ =	strace $0x80000048  }
0xb5: {  	_ =	swait.ge [sflag:s29], $0x1  }
0xb6: {  	[sflag:s29] =	ssyncadd.s32 $0xFFFFFFFF  }
0xb7: {  	_ =	strace $0x90000048  }
0xb8: {  	_ =	sfence  }
0xb9: {  	s30 =	sld [smem:$0x0];
	_ =	sdelay $0x2  }
0xba: {  	s31 =	sshll.u32 s1, $0xD;
	s1 =	sshrl.u32 s1, $0x2  }
0xbb: {  	s3 =	sand.u32 $0x4000, s31;
	s1 =	sadd.s32 s1, s30  }
0xbc: {  	s0 =	sor.u32 s3, s0;
	s1 =	sshll.u32 s1, $0x11  }
0xbd: {  	s0 =	sor.u32 s1, s0  }
0xbe: {  	s0 =	sadd.s32 $0x8F2B, s0  }
0xbf: {  	[sflag:s0] =	ssyncadd.remote.s32 $0x1  }
0xc0: {  	_ =	sfence.sel $0xFFFF  }
0xc1: {  	[dreg:$0x0] =	wrdreg $0xFFFFFFFF;
	(pc) =	sbr.abs _section_cstart, $3  }
0xc2: {  	[dreg:$0x1] =	wrdreg $0xFFFFFFFF  }
0xc3: {  	_ =	task.clear_ibuf [dreg:s8], $0x2FFFF;
	_ =	strace $0x9FFFFFFF  }
0xc4: {  	(tm) =	ssettm $0x7FFFFFFF  }
0xc5: {  	_ =	shalt  }
tec
execute0_lowered:
.L_overlay_start_1:
0x0: {  	(tag) =	ssettag $0x1  }
0x1: {  	s4 =	rddreg [dreg:$0x0]  }
0x2: {  	s1 =	srdreg.scid;
	s6 =	rddreg [dreg:$0x1]  }
0x3: {  	s0 =	stileid.u32;
	s2 =	rddreg [dreg:$0x2];
	s3 =	simm.s32 $0x0  }
0x4: {  	s13 =	simm.s32 $0xDC00;
	s14 =	simm.s32 $0x5C00;
	s15 =	simm.s32 $0x11C00  }
0x5: {  	s16 =	simm.s32 $0x400;
	s17 =	simm.s32 $0x800;
	s9 =	smul.u32 $0x320000, s0  }
0x6: {  	s18 =	simm.s32 $0x4;
	s5 =	sand.u32 $0x1, s1;
	s11 =	smul.u32 $0x32000, s0  }
0x7: {  	s19 =	simm.s32 $0x5;
	s28 =	sshll.u32 s0, $0x1;
	s10 =	smul.u32 $0x190000, s5  }
0x8: {  	s20 =	simm.s32 $0x6;
	s7 =	sor.u32 s5, s28;
	s12 =	smul.u32 $0x19000, s5  }
0x9: {  	s21 =	simm.s32 $0x0;
	[smem:$0x7FF] =	sst s3;
	s8 =	smul.u32 $0x380, s7  }
0xa: {  	_ =	strace $0x80000047;
	s29 =	ssub.s32 $0x2, s5;
	s7 =	smul.u32 $0x19000, s7  }
0xb: {  	s30 =	sshrl.u32 s29, $0x1;
	s31 =	sadd.s32 s11, s6;
	s9 =	sadd.s32 s10, s9  }
.Ltmp0:
0xc: {  	s10 =	ssub.s32 s29, s30;
	s11 =	sadd.s32 s12, s31;
	(pc) =	sbr.rel .LBB2_1-.Ltmp0, $4  }
0xd: {  	s12 =	simm.s32 $0x1C00;
	s8 =	sadd.s32 s8, s4;
	s9 =	sshrl.u32 s9, $0x3  }
0xe: {  	s9 =	sadd.s32 s9, s4;
	s4 =	sadd.s32 s6, s7;
	s5 =	sadd.s32 $0x800, s8  }
0xf: {  	s7 =	smax.u32 s10, $0x1;
	s10 =	simm.s32 $0x7;
	s6 =	sadd.s32 $0x800, s4  }
0x10: {  	s8 =	sadd.s32 $0x7880, s9;
	s9 =	sadd.s32 $0x1000, s11;
	s11 =	simm.s32 $0x80  }
.LBB2_7:
0x11: {  	_ =	swait.ge [sflag:s18], $0x4000  }
0x12: {  	[sflag:s18] =	ssyncset.done $0x0  }
0x13: {  	[sflag:s18] =	ssyncadd.s32 $0xFFFFC000  }
0x14: {  	_ =	swait.ge [sflag:s18], $0x4000  }
0x15: {  	[sflag:s18] =	ssyncset.done $0x0  }
0x16: {  	[sflag:s18] =	ssyncadd.s32 $0xFFFFC000  }
0x17: {  	_ =	swait.ge [sflag:s19], $0x4000  }
0x18: {  	[sflag:s19] =	ssyncset.done $0x0  }
0x19: {  	[sflag:s19] =	ssyncadd.s32 $0xFFFFC000  }
0x1a: {  	_ =	swait.ge [sflag:s19], $0x4000  }
0x1b: {  	[sflag:s19] =	ssyncset.done $0x0  }
0x1c: {  	s21 =	sadd.s32 $0x1, s21;
	[sflag:s19] =	ssyncadd.s32 $0xFFFFC000  }
0x1d: {  	p0 =	sne.s32 s21, s7;
	_ =	swait.ge [sflag:s20], $0x4000  }
.Ltmp1:
0x1e: {  	[sflag:s20] =	ssyncset.done $0x0;
	(pc) =	sbr.rel @!p0 .LBB2_8-.Ltmp1, $4  }
0x1f: {  	[sflag:s20] =	ssyncadd.s32 $0xFFFFC000  }
0x20: {  	_ =	swait.ge [sflag:s20], $0x4000  }
0x21: {  	[sflag:s20] =	ssyncset.done $0x0  }
0x22: {  	[sflag:s20] =	ssyncadd.s32 $0xFFFFC000  }
.LBB2_1:
0x23: {  	[tilespmem:s3], [sflag:$0x7] =	stream.linear.gather [hbm4b:s5+s3], $0x1900, $0x38;
	[tilespmem:$0x19C00] =	vst v63  }
0x24: {  	_ =	swait.ge [sflag:s10], $0x1900  }
0x25: {  	[sflag:s10] =	ssyncset.done $0x0  }
0x26: {  	[sflag:s10] =	ssyncadd.s32 $0xFFFFE700  }
0x27: {  	[tilespmem:s12], [sflag:$0x1] =	stream.indirect.gather [hbm4b:s2+s11], $0x80, s3, s11, $0xb8;
	[tilespmem:$0x19C00] =	vst v63  }
0x28: {  	_ = 	snop  }
0x29: {  	[tilespmem:s13], [sflag:$0x1] =	stream.linear.gather [hbm4b:s4+s3], $0x4000, $0x38;
	[tilespmem:$0x19C00] =	vst v63  }
.Ltmp2:
0x2a: {  	_ = 	snop;
	(pc) =	sbr.rel .LBB2_2-.Ltmp2, $4  }
0x2b: {  	s22 =	simm.s32 $0x2  }
0x2c: {  	[tilespmem:s14], [sflag:$0x2] =	stream.indirect.gather [hbm4b:s2+s11], $0x80, s11, s11, $0xb8;
	[tilespmem:$0x19C00] =	vst v63  }
0x2d: {  	s23 =	simm.s32 $0x100;
	s24 =	smov.u32 s9;
	s25 =	smov.u32 s8  }
0x2e: {  	[tilespmem:s15], [sflag:$0x2] =	stream.linear.gather [hbm4b:s6+s3], $0x4000, $0x38;
	[tilespmem:$0x19C00] =	vst v63  }
.LBB2_3:
0x2f: {  	s1 =	sadd.s32 $0x4, s28  }
0x30: {  	_ =	swait.ge [sflag:s1], $0x4000  }
0x31: {  	[sflag:s1] =	ssyncset.done $0x0  }
0x32: {  	[sflag:s1] =	ssyncadd.s32 $0xFFFFC000  }
0x33: {  	_ =	swait.ge [sflag:s1], $0x4000  }
0x34: {  	[sflag:s1] =	ssyncset.done $0x0  }
0x35: {  	[sflag:s1] =	ssyncadd.s32 $0xFFFFC000  }
.LBB2_5:
0x36: {  	s1 =	sshll.u32 s28, $0xE  }
0x37: {  	s31 =	sadd.s32 $0x1, s28;
	s26 =	sor.u32 $0x1C00, s1  }
0x38: {  	[tilespmem:s26], [sflag:s31] =	stream.indirect.gather [hbm4b:s2+s11], $0x80, s23, s11, $0xb8;
	[tilespmem:$0x19C00] =	vst v63  }
0x39: {  	s1 =	sadd.s32 $0xDC00, s1  }
0x3a: {  	[tilespmem:s1], [sflag:s31] =	stream.linear.gather [hbm4b:s24+s3], $0x4000, $0x38;
	[tilespmem:$0x19C00] =	vst v63  }
.LBB2_6:
0x3b: {  	s22 =	sadd.s32 $0x1, s22  }
0x3c: {  	p0 =	sne.s32 s22, $0x34  }
.Ltmp3:
0x3d: {  	_ = 	snop;
	(pc) =	sbr.rel @!p0 .LBB2_7-.Ltmp3, $2  }
0x3e: {  	_ =	sdelay $0x2  }
0x3f: {  	s25 =	sadd.s32 $0x1000, s25;
	s23 =	sadd.s32 $0x80, s23;
	s24 =	sadd.s32 $0x800, s24  }
.LBB2_2:
0x40: {  	s28 =	smul.u32 $0xAB, s22;
	_ =	sdelay $0x1  }
0x41: {  	s26 =	sadd.s32 $0xFFFFFEAA, s28  }
0x42: {  	s26 =	sshrl.u32 s26, $0x9  }
0x43: {  	s26 =	sand.u32 $0x7F, s26  }
0x44: {  	s29 =	smul.u32 $0x3, s26  }
0x45: {  	s26 =	sadd.s32 $0xFFFFFFFE, s22  }
0x46: {  	s29 =	ssub.s32 s26, s29  }
0x47: {  	s29 =	sand.u32 $0xFF, s29  }
0x48: {  	s30 =	sadd.s32 $0x1, s29  }
0x49: {  	_ =	swait.ge [sflag:s30], $0x4000  }
0x4a: {  	[sflag:s30] =	ssyncset.done $0x0  }
0x4b: {  	[sflag:s30] =	ssyncadd.s32 $0xFFFFC000  }
0x4c: {  	_ =	swait.ge [sflag:s30], $0x4000  }
0x4d: {  	s1 =	sadd.s32 $0xFFFFFF80, s25;
	s31 =	sshll.u32 s29, $0xE;
	[sflag:s30] =	ssyncset.done $0x0  }
0x4e: {  	s29 =	sor.u32 $0x4, s29;
	[sflag:s30] =	ssyncadd.s32 $0xFFFFC000;
	s30 =	sor.u32 $0x1C00, s31  }
0x4f: {  	[hbm4b:s1+s16] =	stream.strided.scatter [tilespmem:s30], [sflag:s29], $0x4000, s17, s16, $0x38;
	[tilespmem:$0x19C00] =	vst v63  }
0x50: {  	s30 =	sadd.s32 $0xDC00, s31;
	s31 =	sshrl.u32 s28, $0x9;
	s28 =	sadd.s32 $0xFFFFFFFD, s22  }
0x51: {  	p0 =	sgt.u32 s28, $0x2E  }
.Ltmp4:
0x52: {  	s1 =	sand.u32 $0x7F, s31;
	(pc) =	sbr.rel @!p0 .LBB2_3-.Ltmp4, $4  }
0x53: {  	s1 =	smul.u32 $0x3, s1  }
0x54: {  	[hbm4b:s25+s16] =	stream.strided.scatter [tilespmem:s30], [sflag:s29], $0x4000, s17, s16, $0x38;
	[tilespmem:$0x19C00] =	vst v63  }
0x55: {  	s1 =	ssub.s32 s22, s1  }
0x56: {  	s28 =	sand.u32 $0xFF, s1  }
0x57: {  	p0 =	sgt.u32 s26, $0x2F  }
.Ltmp5:
0x58: {  	_ = 	snop;
	(pc) =	sbr.rel @p0 .LBB2_6-.Ltmp5, $4  }
.Ltmp6:
0x59: {  	_ = 	snop;
	(pc) =	sbr.rel @!p0 .LBB2_5-.Ltmp6, $4  }
0x5a: {  	_ = 	snop  }
0x5b: {  	_ = 	snop  }
0x5c: {  	_ = 	snop  }
0x5d: {  	_ = 	snop  }
.LBB2_8:
0x5e: {  	_ =	sfence.sel $0x180000  }
0x5f: {  	[bflag:$0x0] =	sbarrier.arrive $0xFFFF  }
0x60: {  	_ =	strace $0x90000047  }
0x61: {  	[bflag:$0x2] =	sbarrier.arrive $0xFFFF  }
0x62: {  	p0 =	sne.s32 s0, $0x0;
	s0 =	rddreg [dreg:$0x3]  }
0x63: {  	s0 =	sadd.s32 @!p0 $0x100000, s0  }
0x64: {  	[sflag:s0] =	ssyncadd.tile.s32 @!p0 $0x1;
	_ =	shalt  }
.Lfunc_end2:
_tile_overlayer_lowered:
.L_overlay_start_2:
0x65: {  	(tag) =	ssettag $0x2  }
0x66: {  	s0 =	rddreg [dreg:$0x0];
	s2 =	stileid.u32  }
0x67: {  	s1 =	rddreg [dreg:$0x1];
	p0 =	sne.s32 s2, $0x0  }
0x68: {  	s3 =	rddreg [dreg:$0x2];
	[bflag:$0x3] =	sbarrier.arrive $0xFFFF;
	s2 =	simm.s32 @!p0 $0x1C07  }
0x69: {  	[timem:s3], [sflag:s2] =	dma.local @!p0 [hbm:s0], s1  }
0x6a: {  	s0 =	simm.s32 @!p0 $0x7  }
0x6b: {  	_ =	swait.ge @!p0 [sflag:s0], s1  }
0x6c: {  	s1 =	ssub.s32 @!p0 $0x0, s1;
	[sflag:s0] =	ssyncset.done @!p0 $0x0  }
0x6d: {  	[sflag:s0] =	ssyncadd.s32 @!p0 s1  }
0x6e: {  	[bflag:$0x3] =	sbarrier.arrive $0xFFFF  }
0x6f: {  	_ =	shalt  }

// kernel: sparse-core-data-format-call.cloned.1.call-start
scs
called_computation_lowered:
.L_overlay_start_0:
0x0: {  	s2 =	sld [smem:$0x3FD9]  }
0x1: {  	s3 =	sld [smem:$0x3FFE];
	_ =	sdelay $0x1  }
0x2: {  	s1 =	srdreg.scid  }
0x3: {  	s0 =	sand.u32 $0x1, s1  }
0x4: {  	s18 =	sshll.u32 s0, $0xA;
	s2 =	sadd.s32 s3, s2  }
0x5: {  	s2 =	sadd.s32 s2, s18  }
0x6: {  	[smem:$0x3FC5] =	sst s2  }
0x7: {  	_ = 	snop  }
0x8: {  	s2 =	sld [smem:$0x3FD0];
	(tm) =	ssettm $0x1  }
0x9: {  	s19 =	sld [smem:$0x3FFB];
	_ =	sdelay $0x3  }
0xa: {  	_ =	strace s19  }
0xb: {  	s3 =	sld [smem:$0x3FFC];
	_ =	sdelay $0x3  }
0xc: {  	_ =	strace s3  }
0xd: {  	s3 =	sld [smem:$0x3FFD];
	_ =	sdelay $0x3  }
0xe: {  	_ =	strace s3  }
0xf: {  	_ =	strace $0x8FFFFFFF  }
0x10: {  	s20 =	sld [smem:$0x3FDB];
	_ =	sdelay $0x1  }
0x11: {  	s4 =	simm.s32 $_scs_section_size  }
0x12: {  	s5 =	simm.s32 $_size__tile_overlayer_lowered;
	s6 =	simm.s32 $_tile_overlayer_lowered  }
0x13: {  	s23 =	simm.s32 $0x1BFF;
	s22 =	sshll.u32 s6, $0x1;
	s3 =	sadd.s32 s4, s20  }
0x14: {  	s7 =	simm.s32 $0x0;
	s21 =	sshll.u32 s5, $0x1;
	s5 =	sadd.s32 s22, s3  }
0x15: {  	[timem:s7], [sflag:s23] =	dma.local [hbm:s5], s21  }
0x16: {  	_ =	swait.ge [sflag:s23], s21  }
0x17: {  	s4 =	ssub.s32 $0x0, s21;
	[sflag:s23] =	ssyncset.done $0x0  }
0x18: {  	[sflag:s23] =	ssyncadd.s32 s4;
	_ =	sdelay $0x1  }
0x19: {  	s24 =	simm.s32 $0x1B8B  }
0x1a: {  	_ =	swait.ge [sflag:s24], $0x1  }
0x1b: {  	[sflag:s24] =	ssyncset.done $0x0  }
0x1c: {  	s26 =	simm.s32 $0x1B8E;
	s25 =	sld [smem:$0x3FFE];
	[sflag:s24] =	ssyncadd.s32 $0xFFFFFFFF  }
0x1d: {  	s27 =	simm.s32 $execute0_lowered;
	[smem:$0x3FD2] =	sst s26  }
0x1e: {  	s5 =	sshll.u32 s27, $0x1;
	_ =	strace $0x80000049;
	[dreg:$0x1] =	wrdreg $0xFFFFFFFF  }
0x1f: {  	s28 =	simm.s32 $_size_execute0_lowered;
	s3 =	sadd.s32 s3, s5;
	[dreg:$0x0] =	wrdreg $0x0  }
0x20: {  	s5 =	sshll.u32 s28, $0x1;
	[dreg:$0x2] =	wrdreg s3  }
0x21: {  	[dreg:$0x3] =	wrdreg s5  }
0x22: {  	[dreg:$0x4] =	wrdreg $0xC0  }
0x23: {  	_ =	task [dreg:s7], $0x5FFFF  }
0x24: {  	[dreg:$0x1] =	wrdreg $0xFFFFFFFF  }
0x25: {  	[dreg:$0x0] =	wrdreg $0x60  }
0x26: {  	[dreg:$0x2] =	wrdreg s25  }
0x27: {  	[dreg:$0x3] =	wrdreg s2  }
0x28: {  	[dreg:$0x4] =	wrdreg $0x9  }
0x29: {  	_ =	task.clear_ibuf [dreg:s7], $0x5FFFF;
	_ =	strace $0x90000049  }
0x2a: {  	s29 =	simm.s32 $0x9;
	_ =	strace $0x8000004B  }
0x2b: {  	_ =	swait.ge [sflag:s29], $0x1  }
0x2c: {  	[sflag:s29] =	ssyncadd.s32 $0xFFFFFFFF  }
0x2d: {  	_ =	strace $0x9000004B  }
0x2e: {  	_ =	sfence  }
0x2f: {  	s30 =	sld [smem:$0x0];
	_ =	sdelay $0x2  }
0x30: {  	s31 =	sshll.u32 s1, $0xD;
	s1 =	sshrl.u32 s1, $0x2  }
0x31: {  	s3 =	sand.u32 $0x4000, s31;
	s1 =	sadd.s32 s1, s30  }
0x32: {  	s0 =	sor.u32 s3, s0;
	s1 =	sshll.u32 s1, $0x11  }
0x33: {  	s0 =	sor.u32 s1, s0  }
0x34: {  	s0 =	sadd.s32 $0x8F2B, s0  }
0x35: {  	[sflag:s0] =	ssyncadd.remote.s32 $0x1  }
0x36: {  	_ =	sfence.sel $0xFFFF  }
0x37: {  	[dreg:$0x0] =	wrdreg $0xFFFFFFFF;
	(pc) =	sbr.abs _section_cstart, $3  }
0x38: {  	[dreg:$0x1] =	wrdreg $0xFFFFFFFF  }
0x39: {  	_ =	task.clear_ibuf [dreg:s7], $0x2FFFF;
	_ =	strace $0x9FFFFFFF  }
0x3a: {  	(tm) =	ssettm $0x7FFFFFFF  }
0x3b: {  	_ =	shalt  }
tec
execute0_lowered:
.L_overlay_start_1:
0x0: {  	(tag) =	ssettag $0x1  }
0x1: {  	s4 =	rddreg [dreg:$0x0]  }
0x2: {  	s0 =	stileid.u32;
	s2 =	rddreg [dreg:$0x1]  }
0x3: {  	s1 =	rddreg [dreg:$0x2];
	_ =	strace $0x8000004A;
	s10 =	srdreg.scid  }
0x4: {  	s31 =	simm.s32 $0x2;
	s18 =	simm.s32 $0x0;
	s11 =	simm.s32 $0x2000  }
0x5: {  	s19 =	simm.s32 $0x0;
	s20 =	simm.s32 $0x0;
	s12 =	simm.s32 $0x0  }
0x6: {  	s13 =	simm.s32 $0x0;
	s14 =	simm.s32 $0x0;
	s3 =	sshll.u32 s0, $0x7  }
0x7: {  	s17 =	simm.s32 $0x0;
	s4 =	sadd.s32 $0x7800, s4;
	s3 =	sand.u32 $0x380, s3  }
0x8: {  	s5 =	sshrl.u32 s0, $0x3;
	s30 =	sshll.u32 s10, $0x7;
	s6 =	ssub.s32 $0x400, s3  }
0x9: {  	s8 =	ssub.s32 $0xC8, s5;
	s7 =	sshrl.u32 s6, $0xA;
	s6 =	sand.u32 $0x380, s6  }
0xa: {  	s9 =	sshrl.u32 s8, $0x1;
	p0 =	sne.s32 s6, $0x0;
	s6 =	simm.s32 $0x1  }
.Ltmp0:
0xb: {  	s8 =	sand.u32 $0x1, s8;
	s6 =	simm.s32 @!p0 $0x0;
	(pc) =	sbr.rel .LBB1_1-.Ltmp0, $4  }
0xc: {  	s15 =	smov.u32 s5;
	s8 =	sadd.s32 s8, s9;
	s7 =	sadd.s32 s6, s7  }
0xd: {  	s16 =	smov.u32 s3;
	s6 =	simm.s32 $0x1;
	s7 =	smul.u32 s8, s7  }
0xe: {  	p0 =	por $0x0, $0x0;
	s8 =	sand.u32 $0x80, s30;
	[sflag:s6] =	ssyncpa.u1 $0x0  }
0xf: {  	[sflag:s31] =	ssyncpa.u1 $0x0;
	s9 =	sshll.u32 s8, $0x3;
	s10 =	sadd.s32 $0x1, s7  }
.LBB1_4:
0x10: {  	s25 =	sshra.s32 s25, $0x2;
	s26 =	sshrl.u32 s14, $0x7;
	p1 =	sgt.s32 s14, $0x380  }
0x11: {  	s27 =	sshra.s32 s14, $0x1F;
	s29 =	smov.u32 s13;
	s31 =	sshra.s32 s13, $0x1F  }
0x12: {  	s24 =	sadd.s32 s25, s24;
	s30 =	sadd.s32 s26, s12;
	s26 =	smov.u32 s14  }
0x13: {  	v5 =	vld [tilespmem:s22+$0xFFFFFFD0];
	[tilespmem:s23+$0x2040 ss:$0x81] =	vst.msk $0xffff, v4;
	s27 =	sand.u32 s27, s14;
	s25 =	sand.u32 $0x3FFFFF, s30;
	s26 =	simm.s32 @!p1 $0x380  }
0x14: {  	v58 =	vld [tilespmem:s22+$0xFFFFFFE0];
	[tilespmem:s23+$0x2850 ss:$0x81] =	vst.msk $0xffff, v3;
	p1 =	sgt.s32 s13, $0xC7;
	s28 =	smulhi.u32 $0x199999A, s25;
	s26 =	ssub.s32 s26, s27  }
0x15: {  	v59 =	vld [tilespmem:s22+$0xFFFFFFF0];
	[tilespmem:s23+$0x3060 ss:$0x81] =	vst.msk $0xffff, v2;
	s29 =	simm.s32 @!p1 $0xC7;
	s27 =	sand.u32 s31, s13;
	p1 =	sgt.s32 s12, $0x20  }
0x16: {  	v60 =	vld [tilespmem:s22+$0x0];
	[tilespmem:s23+$0x0 ss:$0x81] =	vst.msk $0xffff, v1;
	s23 =	ssub.s32 s29, s27;
	s27 =	smov.u32 s12;
	s30 =	sadd.s32 $0xFFFFFC80, s26  }
0x17: {  	v61 =	vld [tilespmem:s22+$0x10];
	[tilespmem:s24+$0x3870 ss:$0x81] =	vst.msk $0xffff, v0;
	s26 =	ssub.s32 $0x400, s26;
	s27 =	simm.s32 @!p1 $0x20;
	p1 =	sgt.s32 s30, $0x7F  }
0x18: {  	v62 =	vld [tilespmem:s22+$0x20];
	s28 =	smul.u32 $0xA0, s28;
	[tilespmem:s24+$0x810 ss:$0x81] =	vst.msk $0xffff, v5;
	s27 =	ssub.s32 $0xA0, s27;
	s26 =	simm.s32 @p1 $0x0  }
0x19: {  	v63 =	vld [tilespmem:s22+$0xFFFFFFC0];
	s29 =	sand.u32 $0x7, s14;
	s31 =	sadd.s32 $0xFFFFFF39, s23;
	[tilespmem:s24+$0x1020 ss:$0x81] =	vst.msk $0xffff, v58;
	s26 =	smul.u32 s27, s26  }
0x1a: {  	s22 =	ssub.s32 $0xC8, s23;
	[tilespmem:s24+$0x1830 ss:$0x81] =	vst.msk $0xffff, v59;
	p1 =	sgt.s32 s31, $0x0;
	s27 =	smul.u32 $0x5000, s13  }
0x1b: {  	[tilespmem:s24+$0x2040 ss:$0x81] =	vst.msk $0xffff, v60;
	s22 =	simm.s32 @p1 $0x0;
	s25 =	ssub.s32 s25, s28;
	s28 =	sshrl.u32 s14, $0x3  }
0x1c: {  	[tilespmem:s24+$0x2850 ss:$0x81] =	vst.msk $0xffff, v61;
	s23 =	sand.u32 $0xF, s28;
	s22 =	smul.u32 s22, s26;
	s26 =	sadd.s32 s2, s27  }
0x1d: {  	[tilespmem:s24+$0x3060 ss:$0x81] =	vst.msk $0xffff, v62;
	s30 =	sshll.u32 s29, $0x12;
	s25 =	sshll.u32 s25, $0x7;
	s23 =	sadd.s32 s23, s26  }
0x1e: {  	[tilespmem:s24+$0x0 ss:$0x81] =	vst.msk $0xffff, v63;
	s31 =	sor.u32 $0x400, s30;
	s22 =	sand.u32 $0x3FFFFFFF, s22;
	s23 =	sadd.s32 s25, s23  }
0x1f: {  	[hbm4b:s23+s31] =	stream.strided.scatter [tilespmem:s21], [sflag:$0x2], s22, s11, s31, $0x20;
	[tilespmem:$0x10100] =	vst v63  }
.LBB1_5:
0x20: {  	p1 =	slt.u32 s17, $0x2;
	s21 =	smov.u32 s19  }
0x21: {  	s22 =	smov.u32 s20;
	p2 =	sgt.s32 @!p1 s19, $0xC7;
	p3 =	sgt.s32 @!p1 s20, $0x380  }
0x22: {  	s23 =	sshra.s32 @!p1 s20, $0x1F;
	p2 =	por !p2, p1;
	p3 =	por !p3, p1  }
0x23: {  	s20 =	sand.u32 @!p1 s23, s20;
	s21 =	simm.s32 @p2 $0xC7;
	s22 =	simm.s32 @p3 $0x380  }
0x24: {  	p2 =	sgt.s32 @!p1 s18, $0x20;
	s20 =	ssub.s32 @!p1 s22, s20;
	s22 =	sshra.s32 @!p1 s19, $0x1F  }
0x25: {  	p2 =	por !p2, p1;
	s19 =	sand.u32 @!p1 s22, s19;
	s22 =	sadd.s32 @!p1 $0xFFFFFC80, s20  }
0x26: {  	s18 =	simm.s32 @p2 $0x20;
	s19 =	ssub.s32 @!p1 s21, s19;
	p2 =	sgt.s32 @!p1 s22, $0x7F  }
0x27: {  	s20 =	ssub.s32 @!p1 $0x400, s20;
	s21 =	sadd.s32 @!p1 $0xFFFFFF39, s19;
	p2 =	por !p2, p1  }
0x28: {  	s18 =	ssub.s32 @!p1 $0xA0, s18;
	s20 =	simm.s32 @!p2 $0x0;
	p2 =	sgt.s32 @!p1 s21, $0x0  }
0x29: {  	s19 =	ssub.s32 @!p1 $0xC8, s19;
	p2 =	por !p2, p1;
	s18 =	smul.u32 @!p1 s18, s20  }
0x2a: {  	s23 =	smov.u32 s16;
	s21 =	sadd.s32 $0x2, s15;
	s19 =	simm.s32 @!p2 $0x0  }
0x2b: {  	p2 =	sgt.s32 s21, $0xC7;
	s18 =	smul.u32 @!p1 s19, s18;
	s19 =	sadd.s32 $0x400, s16  }
0x2c: {  	s25 =	sadd.s32 $0x1, s17;
	s23 =	smov.u32 @p2 s19  }
0x2d: {  	p0 =	por !p0, !p0;
	s21 =	smov.u32 @p2 s5;
	p2 =	sgt.s32 s23, $0x3FF  }
0x2e: {  	s22 =	simm.s32 @!p1 $0x2;
	s23 =	smov.u32 @p2 s3;
	p2 =	sne.s32 s17, s10  }
.Ltmp1:
0x2f: {  	s20 =	smov.u32 s14;
	s14 =	smov.u32 s16;
	(pc) =	sbr.rel @!p2 .LBB1_6-.Ltmp1, $4  }
0x30: {  	s19 =	smov.u32 s13;
	s13 =	smov.u32 s15;
	s18 =	sand.u32 @!p1 $0x3FFFFFFF, s18  }
0x31: {  	s15 =	smov.u32 s21;
	_ =	swait.ge @!p1 [sflag:s22], s18;
	s24 =	ssub.s32 @!p1 $0x0, s18  }
0x32: {  	s18 =	smov.u32 s12;
	s12 =	smov.u32 s8;
	[sflag:s22] =	ssyncset.done @!p1 $0x0  }
0x33: {  	s17 =	smov.u32 s25;
	s16 =	smov.u32 s23;
	[sflag:s22] =	ssyncadd.s32 @!p1 s24  }
.LBB1_1:
0x34: {  	p1 =	sge.u32 s17, s7  }
0x35: {  	s21 =	sshll.u32 @!p1 s15, $0x8  }
0x36: {  	s22 =	sshll.u32 @!p1 s15, $0x7;
	s21 =	sand.u32 @!p1 $0xFFFFF800, s21  }
0x37: {  	s22 =	sand.u32 @!p1 $0x300, s22;
	s21 =	sor.u32 @!p1 s9, s21  }
0x38: {  	s21 =	sor.u32 @!p1 s22, s21  }
0x39: {  	s21 =	sshrl.u32 @!p1 s21, $0x8  }
0x3a: {  	s22 =	smulhi.u32 @!p1 $0x147AE15, s21;
	_ =	sdelay $0x1  }
0x3b: {  	s22 =	smul.u32 @!p1 $0xC8, s22  }
0x3c: {  	s31 =	sadd.s32 $0xFFFFFFFF, s17;
	s23 =	smul.u32 @!p1 $0x1900, s16  }
0x3d: {  	s24 =	sxor.u32 @!p1 $0xFFFFFFFF, s17;
	s21 =	ssub.s32 @!p1 s21, s22;
	s22 =	sshll.u32 @!p1 s15, $0x4  }
0x3e: {  	s24 =	sshll.u32 @!p1 s24, $0xE;
	s23 =	sadd.s32 @!p1 s4, s23;
	s22 =	sand.u32 @!p1 $0x10, s22  }
0x3f: {  	s24 =	sand.u32 @!p1 $0x4000, s24;
	s21 =	sshll.u32 @!p1 s21, $0x5;
	s22 =	sadd.s32 @!p1 s22, s23  }
0x40: {  	s23 =	simm.s32 @!p1 $0xC800;
	s21 =	sadd.s32 @!p1 s21, s22;
	s22 =	simm.s32 @!p1 $0x80  }
0x41: {  	[tilespmem:s24], [sflag:$0x1] =	stream.strided.gather @!p1 [hbm4b:s21+s22], $0x4000, s23, s22, $0x38;
	[tilespmem:$0x10100] =	vst v63  }
0x42: {  	p1 =	sge.u32 s31, s7  }
.Ltmp2:
0x43: {  	_ = 	snop;
	(pc) =	sbr.rel @p1 .LBB1_5-.Ltmp2, $1  }
0x44: {  	_ =	sdelay $0x3  }
0x45: {  	s21 =	simm.s32 $0x1  }
0x46: {  	_ =	swait.ge [sflag:s6], $0x4000;
	s21 =	simm.s32 @!p0 $0x0  }
0x47: {  	[sflag:s6] =	ssyncset.done $0x0;
	s22 =	sshll.u32 s21, $0xE  }
0x48: {  	[sflag:s6] =	ssyncadd.s32 $0xFFFFC000;
	s22 =	sor.u32 $0x40, s22  }
0x49: {  	s21 =	smul.u32 $0x10200, s21;
	v0 =	vld [tilespmem:s22+$0x30]  }
0x4a: {  	v1 =	vld [tilespmem:s22+$0xFFFFFFD0]  }
0x4b: {  	s21 =	sshrl.u32 s21, $0x2;
	v5 =	vld [tilespmem:s22+$0xFFFFFFE0]  }
0x4c: {  	v6 =	vld [tilespmem:s22+$0xFFFFFFF0];
	s24 =	sor.u32 $0x8000, s21  }
0x4d: {  	s31 =	sand.u32 $0x1, s17;
	v4 =	vld [tilespmem:s22+$0x0];
	s23 =	sadd.s32 $0x0, s24  }
0x4e: {  	v3 =	vld [tilespmem:s22+$0x10];
	s21 =	smul.u32 $0x10200, s31;
	[tilespmem:s23+$0x3870 ss:$0x81] =	vst.msk $0xffff, v0  }
0x4f: {  	v2 =	vld [tilespmem:s22+$0x20];
	[tilespmem:s23+$0x810 ss:$0x81] =	vst.msk $0xffff, v1  }
0x50: {  	s21 =	sshrl.u32 s21, $0x2;
	v1 =	vld [tilespmem:s22+$0xFFFFFFC0];
	[tilespmem:s23+$0x1020 ss:$0x81] =	vst.msk $0xffff, v5;
	s22 =	sadd.s32 $0x80, s22  }
0x51: {  	s25 =	simm.s32 $0x4;
	s26 =	simm.s32 $0x8;
	s21 =	sor.u32 $0x8000, s21;
	[tilespmem:s23+$0x1830 ss:$0x81] =	vst.msk $0xffff, v6;
	v0 =	vld [tilespmem:s22+$0x30]  }
.LBB1_3:
0x52: {  	p1 =	sne.s32 s26, $0x1FC;
	v5 =	vld [tilespmem:s22+$0xFFFFFFD0];
	[tilespmem:s23+$0x2040 ss:$0x81] =	vst.msk $0xffff, v4  }
0x53: {  	v6 =	vld [tilespmem:s22+$0xFFFFFFE0];
	[tilespmem:s23+$0x2850 ss:$0x81] =	vst.msk $0xffff, v3  }
0x54: {  	s27 =	sshra.s32 s25, $0x2;
	s25 =	smov.u32 s26;
	v7 =	vld [tilespmem:s22+$0xFFFFFFF0];
	[tilespmem:s23+$0x3060 ss:$0x81] =	vst.msk $0xffff, v2  }
.Ltmp3:
0x55: {  	v4 =	vld [tilespmem:s22+$0x0];
	[tilespmem:s23+$0x0 ss:$0x81] =	vst.msk $0xffff, v1;
	s23 =	sadd.s32 s27, s24;
	(pc) =	sbr.rel @p1 .LBB1_3-.Ltmp3, $4  }
0x56: {  	v3 =	vld [tilespmem:s22+$0x10];
	[tilespmem:s23+$0x3870 ss:$0x81] =	vst.msk $0xffff, v0  }
0x57: {  	[tilespmem:s23+$0x810 ss:$0x81] =	vst.msk $0xffff, v5;
	v2 =	vld [tilespmem:s22+$0x20]  }
0x58: {  	v1 =	vld [tilespmem:s22+$0xFFFFFFC0];
	[tilespmem:s23+$0x1020 ss:$0x81] =	vst.msk $0xffff, v6;
	s22 =	sadd.s32 $0x80, s22  }
0x59: {  	s26 =	sadd.s32 $0x4, s26;
	v0 =	vld [tilespmem:s22+$0x30];
	[tilespmem:s23+$0x1830 ss:$0x81] =	vst.msk $0xffff, v7  }
.Ltmp4:
0x5a: {  	_ = 	snop;
	(pc) =	sbr.rel .LBB1_4-.Ltmp4, $1  }
0x5b: {  	_ =	sdelay $0x3  }
.LBB1_6:
0x5c: {  	_ =	sfence.sel $0x180000  }
0x5d: {  	s2 =	simm.s32 $0x1;
	[bflag:$0x0] =	sbarrier.arrive $0xFFFF  }
0x5e: {  	s31 =	simm.s32 $0x2;
	[sflag:s2] =	ssyncpa.u1 $0x1  }
0x5f: {  	[sflag:s31] =	ssyncpa.u1 $0x1  }
0x60: {  	p0 =	sne.s32 s0, $0x0;
	_ =	strace $0x9000004A  }
0x61: {  	s0 =	sadd.s32 @!p0 $0x100000, s1;
	[bflag:$0x2] =	sbarrier.arrive $0xFFFF  }
0x62: {  	[sflag:s0] =	ssyncadd.tile.s32 @!p0 $0x1;
	_ =	shalt  }
.Lfunc_end1:
_tile_overlayer_lowered:
.L_overlay_start_2:
0x63: {  	(tag) =	ssettag $0x2  }
0x64: {  	s0 =	rddreg [dreg:$0x0];
	s2 =	stileid.u32  }
0x65: {  	s1 =	rddreg [dreg:$0x1];
	p0 =	sne.s32 s2, $0x0  }
0x66: {  	s3 =	rddreg [dreg:$0x2];
	[bflag:$0x3] =	sbarrier.arrive $0xFFFF;
	s2 =	simm.s32 @!p0 $0x1C01  }
0x67: {  	[timem:s3], [sflag:s2] =	dma.local @!p0 [hbm:s0], s1  }
0x68: {  	s0 =	simm.s32 @!p0 $0x1  }
0x69: {  	_ =	swait.ge @!p0 [sflag:s0], s1  }
0x6a: {  	s1 =	ssub.s32 @!p0 $0x0, s1;
	[sflag:s0] =	ssyncset.done @!p0 $0x0  }
0x6b: {  	[sflag:s0] =	ssyncadd.s32 @!p0 s1  }
0x6c: {  	[bflag:$0x3] =	sbarrier.arrive $0xFFFF  }
0x6d: {  	_ =	shalt  }

</sc_bundles>
